<compile_context>
chip_gen: v7x
topology: tpu7x:2x2x1
jax: 0.10.2.dev20260603
libtpu: 0.0.44.dev20260713+nightly
codegen_flags: <defaults>
</compile_context>

<pallas_src>
import jax
import jax.numpy as jnp
from jax import lax
from jax.experimental import pallas as pl
from jax.experimental.pallas import tpu as pltpu
from jax.experimental.pallas import tpu_sc as plsc

N = 50000
D = 256
B = 512
L = 16
NC = 2
NS = 16
CHUNK = 3136
TAIL = N - (NS - 1) * CHUNK
G_PER_W = B // (NC * NS)
RSQRT_MAGIC = 0x5F3759DF


def _rsqrt_newton(v):
    y = plsc.bitcast(RSQRT_MAGIC - lax.shift_right_logical(plsc.bitcast(v, jnp.int32), 1),
                     jnp.float32)
    half = v * 0.5
    for _ in range(3):
        y = y * (1.5 - half * y * y)
    return y


def _sc_body(x_hbm, ids_hbm, lng_hbm, lnb_hbm, w_hbm, bvec_hbm, out_hbm,
             ids_v, starts_v, merged_v, idx16_v, rows_v,
             g_v, bv_v, w_v, bias_v, out_v, shared, sem, sem2):
    c = lax.axis_index("c")
    s = lax.axis_index("s")
    w = c * NS + s
    iota = lax.iota(jnp.int32, L)
    base = s * CHUNK

    @pl.when(s < NS - 1)
    def _():
        pltpu.async_copy(
            ids_hbm.at[pl.ds(base, CHUNK)], ids_v.at[pl.ds(L, CHUNK)], sem)

    @pl.when(s == NS - 1)
    def _():
        pltpu.async_copy(
            ids_hbm.at[pl.ds(base, TAIL)], ids_v.at[pl.ds(L, TAIL)], sem)

    cd_g = pltpu.async_copy(lng_hbm, g_v, sem2)
    cd_b = pltpu.async_copy(lnb_hbm, bv_v, sem2)
    cd_w = pltpu.async_copy(w_hbm, w_v, sem2)
    cd_bias = pltpu.async_copy(bvec_hbm, bias_v.at[pl.ds(0, 1)], sem2)

    @pl.when(s == 0)
    def _():
        ids_v[pl.ds(0, L)] = jnp.full((L,), -1, jnp.int32)

    @pl.when(s > 0)
    def _():
        pltpu.async_copy(
            ids_hbm.at[pl.ds(base - L, L)], ids_v.at[pl.ds(0, L)], sem)

    zeros16 = jnp.zeros((L,), jnp.int32)

    @plsc.parallel_loop(0, L, unroll=2)
    def _zero(i):
        for j in range(8):
            starts_v[i, pl.ds(j * L, L)] = zeros16

    @pl.when(s == 0)
    def _():
        pltpu.sync_copy(starts_v, shared)

    @pl.when(s < NS - 1)
    def _():
        pltpu.make_async_copy(
            ids_hbm.at[pl.ds(base, CHUNK)], ids_v.at[pl.ds(L, CHUNK)], sem).wait()

    @pl.when(s == NS - 1)
    def _():
        pltpu.make_async_copy(
            ids_hbm.at[pl.ds(base, TAIL)], ids_v.at[pl.ds(L, TAIL)], sem).wait()

    @pl.when(s > 0)
    def _():
        pltpu.make_async_copy(
            ids_hbm.at[pl.ds(base - L, L)], ids_v.at[pl.ds(0, L)], sem).wait()

    @plsc.parallel_loop(0, CHUNK // L, unroll=8)
    def _scan(k):
        off = k * L
        curr = ids_v[pl.ds(off + L, L)]
        prev = ids_v[pl.ds(off + L - 1, L)]
        pos = base + off + iota
        mask = (curr != prev) & (pos < N)
        g = jnp.clip(curr, 0, B - 1)
        plsc.addupdate_scatter(
            starts_v,
            [lax.shift_right_logical(g, 5), lax.bitwise_and(g, 31)],
            pos + 1, mask=mask)

    plsc.subcore_barrier()
    pltpu.sync_copy(starts_v, shared.at[iota], add=True)
    plsc.subcore_barrier()

    pltpu.sync_copy(shared.at[w >> 1, pl.ds((w & 1) * L, L)], merged_v)
    mv = merged_v[...]
    valid = mv > 0
    idx16_v[...] = jnp.maximum(mv - 1, 0)

    cd_rows = pltpu.async_copy(x_hbm.at[idx16_v], rows_v, sem)

    cd_g.wait(); cd_b.wait(); cd_w.wait(); cd_bias.wait()

    gw = []
    gsum_acc = jnp.zeros((L,), jnp.float32)
    bsum_acc = jnp.zeros((L,), jnp.float32)
    for d in range(D // L):
        wv = w_v[pl.ds(d * L, L)]
        gwd = g_v[pl.ds(d * L, L)] * wv
        gw.append(gwd)
        gsum_acc = gsum_acc + gwd
        bsum_acc = bsum_acc + bv_v[pl.ds(d * L, L)] * wv
    gsum = jnp.sum(gsum_acc)
    bsum = jnp.sum(bsum_acc)

    cd_rows.wait()

    inv_d = 1.0 / D

    @plsc.parallel_loop(0, G_PER_W, unroll=2, carry=jnp.zeros((L,), jnp.float32))
    def preds(r, acc_preds):
        z = jnp.zeros((L,), jnp.float32)
        acc, acc2, acca = z, z, z
        for d in range(D // L):
            xv = rows_v[r, pl.ds(d * L, L)]
            acc = acc + xv
            acc2 = acc2 + xv * xv
            acca = acca + xv * gw[d]
        mu = jnp.sum(acc) * inv_d
        var = jnp.sum(acc2) * inv_d - mu * mu
        a = jnp.sum(acca)
        rstd_v = _rsqrt_newton(jnp.full((L,), var + 1e-5, jnp.float32))
        pred_v = (a - mu * gsum) * rstd_v + bsum
        return jnp.where(iota == r, pred_v, acc_preds)

    res = jnp.where(valid, preds, 0.0) + bias_v[...][0]
    out_v[...] = res
    pltpu.sync_copy(out_v, out_hbm.at[pl.ds(w * G_PER_W, G_PER_W)])


@jax.jit
def _run(x, ids_pad, ln_g, ln_b, w_flat, b_vec):
    mesh = plsc.VectorSubcoreMesh(core_axis_name="c", subcore_axis_name="s")
    f = pl.kernel(
        _sc_body, mesh=mesh,
        out_type=jax.ShapeDtypeStruct((B,), jnp.float32),
        scratch_types=[
            pltpu.VMEM((CHUNK + L,), jnp.int32),
            pltpu.VMEM((L, 128), jnp.int32),
            pltpu.VMEM((L,), jnp.int32),
            pltpu.VMEM((L,), jnp.int32),
            pltpu.VMEM((G_PER_W, D), jnp.float32),
            pltpu.VMEM((D,), jnp.float32),
            pltpu.VMEM((D,), jnp.float32),
            pltpu.VMEM((D,), jnp.float32),
            pltpu.VMEM((L,), jnp.float32),
            pltpu.VMEM((L,), jnp.float32),
            pltpu.VMEM_SHARED((L, 128), jnp.int32),
            pltpu.SemaphoreType.DMA,
            pltpu.SemaphoreType.DMA,
        ],
        compiler_params=pltpu.CompilerParams(needs_layout_passes=False),
    )
    return f(x, ids_pad, ln_g, ln_b, w_flat, b_vec)


def kernel(x, batch_ids, y, ln_g, ln_b, W, b):
    ids32 = batch_ids.astype(jnp.int32)
    pred = _run(x, ids32, ln_g, ln_b, W.reshape(D), b)
    return (pred.reshape(B, 1), y)

# --- scband reference (transcript-rebuilt; emitter-appended) ---
"""Pipeline reference for scband-graphormer-regression-head-12335146074374 (READ-ONLY COPY).

The authoritative reference and input builder live on the scoring server;
editing this copy changes nothing except your own understanding.
"""

import jax, jax.numpy as jnp
import numpy as np

N = 50000
D = 256
B = 512

def setup_inputs(seed: int = 0) -> dict:
    key = jax.random.key(seed)
    ks = jax.random.split(key, 6)
    x = jax.random.normal(ks[0], (N, D), dtype=jnp.float32)
    batch_ids = jnp.sort(jax.random.randint(ks[1], (N,), 0, B, dtype=jnp.int64))
    y = jax.random.normal(ks[2], (B,), dtype=jnp.float32)
    ln_g = jnp.ones((D,), dtype=jnp.float32)
    ln_b = jnp.zeros((D,), dtype=jnp.float32)
    W = jax.random.normal(ks[3], (D, 1), dtype=jnp.float32) / np.sqrt(D)
    b = jnp.zeros((1,), dtype=jnp.float32)
    return {"x": x, "batch_ids": batch_ids, "y": y, "ln_g": ln_g, "ln_b": ln_b, "W": W, "b": b}

def reference(x, batch_ids, y, ln_g, ln_b, W, b):
    # LayerNorm over feature dim (nn.LayerNorm(dim_in))
    mu = jnp.mean(x, axis=-1, keepdims=True)
    var = jnp.var(x, axis=-1, keepdims=True)
    xn = (x - mu) / jnp.sqrt(var + 1e-5) * ln_g + ln_b
    # graph_token_pooling: to_dense_batch(x, batch)[:, 0, :] == first node of each graph
    # (batch_ids are sorted; empty graphs yield zero rows, matching to_dense_batch padding)
    counts = jnp.bincount(batch_ids, length=B)
    starts = jnp.concatenate([jnp.zeros((1,), dtype=counts.dtype), jnp.cumsum(counts)[:-1]])
    pos = jnp.arange(xn.shape[0]) - starts[batch_ids]
    sel = (pos == 0).astype(xn.dtype)[:, None]
    g = jnp.zeros((B, xn.shape[1]), dtype=xn.dtype).at[batch_ids].add(xn * sel)
    # fc: Linear(dim_in, 1); use_label_norm is False by default
    pred = g @ W + b
    # _apply_index returns (graph_feature, y)
    return (pred, y)

if __name__ == "__main__":
    import jax
    _d = setup_inputs()
    print(jax.jit(kernel)(*tuple(_d.values())))

</pallas_src>

<mosaic_0001>
#map = affine_map<(d0, d1) -> (0, 0)>
#map1 = affine_map<(d0, d1) -> (0)>
module attributes {stable_mosaic.version = 14 : i64} {
  func.func @_sc_body(%arg0: i32, %arg1: i32, %arg2: memref<50000x256xf32, #tpu.memory_space<hbm>>, %arg3: memref<50000xi32, #tpu.memory_space<hbm>>, %arg4: memref<256xf32, #tpu.memory_space<hbm>>, %arg5: memref<256xf32, #tpu.memory_space<hbm>>, %arg6: memref<256xf32, #tpu.memory_space<hbm>>, %arg7: memref<1xf32, #tpu.memory_space<hbm>>, %arg8: memref<512xf32, #tpu.memory_space<hbm>>, %arg9: memref<3152xi32, #tpu.memory_space<vmem>>, %arg10: memref<16x128xi32, #tpu.memory_space<vmem>>, %arg11: memref<16xi32, #tpu.memory_space<vmem>>, %arg12: memref<16xi32, #tpu.memory_space<vmem>>, %arg13: memref<16x256xf32, #tpu.memory_space<vmem>>, %arg14: memref<256xf32, #tpu.memory_space<vmem>>, %arg15: memref<256xf32, #tpu.memory_space<vmem>>, %arg16: memref<256xf32, #tpu.memory_space<vmem>>, %arg17: memref<16xf32, #tpu.memory_space<vmem>>, %arg18: memref<16xf32, #tpu.memory_space<vmem>>, %arg19: memref<16x128xi32, #tpu.memory_space<vmem_shared>>, %arg20: memref<!tpu.dma_semaphore, #tpu.memory_space<semaphore_mem>>, %arg21: memref<!tpu.dma_semaphore, #tpu.memory_space<semaphore_mem>>) attributes {dimension_semantics = [#tpu.dimension_semantics<core_parallel>, #tpu.dimension_semantics<subcore_parallel>], iteration_bounds = array<i64: 2, 16>, scalar_prefetch = 0 : i64, scratch_operands = 13 : i64, tpu.core_type = #tpu.core_type<sc_vector_subcore>, window_params = [{transform_indices = #map}, {transform_indices = #map1}, {transform_indices = #map1}, {transform_indices = #map1}, {transform_indices = #map1}, {transform_indices = #map1}, {transform_indices = #map1}]} {
    %mul3A = arith.constant 16 : i32
    %mul3A_0 = arith.muli %arg0, %mul3A : i32
    %add3A = arith.addi %mul3A_0, %arg1 : i32
    %iota3A = tpu.iota {dimensions = array<i32: 0>} : vector<16xi32>
    %mul3A_1 = arith.constant 3136 : i32
    %mul3A_2 = arith.muli %arg1, %mul3A_1 : i32
    %lt3A = arith.constant 15 : i32
    %lt3A_3 = arith.cmpi slt, %arg1, %lt3A : i32
    %convert_element_type3A = arith.extui %lt3A_3 : i1 to i32
    %cond3A = arith.constant 0 : i32
    %cond3A_4 = arith.cmpi ne, %convert_element_type3A, %cond3A : i32
    scf.if %cond3A_4 {
      %dma_start3A_256 = arith.constant 16 : i32
      %dma_start3A_257 = tpu.memref_slice %arg9[%dma_start3A_256] : memref<3152xi32, #tpu.memory_space<vmem>> -> memref<3136xi32, #tpu.memory_space<vmem>>
      %dma_start3A_258 = tpu.memref_slice %arg3[%mul3A_2] : memref<50000xi32, #tpu.memory_space<hbm>> -> memref<3136xi32, #tpu.memory_space<hbm>>
      %dma_start3A_259 = arith.constant 16 : i32
      %dma_start3A_260 = tpu.memref_slice %arg9[%dma_start3A_259] : memref<3152xi32, #tpu.memory_space<vmem>> -> memref<3136xi32, #tpu.memory_space<vmem>>
      %dma_start3A_261 = tpu.memref_slice %arg3[%mul3A_2] : memref<50000xi32, #tpu.memory_space<hbm>> -> memref<3136xi32, #tpu.memory_space<hbm>>
      tpu.enqueue_dma source(%dma_start3A_261 : memref<3136xi32, #tpu.memory_space<hbm>>) target(%dma_start3A_260 : memref<3136xi32, #tpu.memory_space<vmem>>) target_semaphore(%arg20 : memref<!tpu.dma_semaphore, #tpu.memory_space<semaphore_mem>>)
    } else {
    }
    %eq3A = arith.constant 15 : i32
    %eq3A_5 = arith.cmpi eq, %arg1, %eq3A : i32
    %convert_element_type3A_6 = arith.extui %eq3A_5 : i1 to i32
    %cond3A_7 = arith.constant 0 : i32
    %cond3A_8 = arith.cmpi ne, %convert_element_type3A_6, %cond3A_7 : i32
    scf.if %cond3A_8 {
      %dma_start3A_256 = arith.constant 16 : i32
      %dma_start3A_257 = tpu.memref_slice %arg9[%dma_start3A_256] : memref<3152xi32, #tpu.memory_space<vmem>> -> memref<2960xi32, #tpu.memory_space<vmem>>
      %dma_start3A_258 = tpu.memref_slice %arg3[%mul3A_2] : memref<50000xi32, #tpu.memory_space<hbm>> -> memref<2960xi32, #tpu.memory_space<hbm>>
      %dma_start3A_259 = arith.constant 16 : i32
      %dma_start3A_260 = tpu.memref_slice %arg9[%dma_start3A_259] : memref<3152xi32, #tpu.memory_space<vmem>> -> memref<2960xi32, #tpu.memory_space<vmem>>
      %dma_start3A_261 = tpu.memref_slice %arg3[%mul3A_2] : memref<50000xi32, #tpu.memory_space<hbm>> -> memref<2960xi32, #tpu.memory_space<hbm>>
      tpu.enqueue_dma source(%dma_start3A_261 : memref<2960xi32, #tpu.memory_space<hbm>>) target(%dma_start3A_260 : memref<2960xi32, #tpu.memory_space<vmem>>) target_semaphore(%arg20 : memref<!tpu.dma_semaphore, #tpu.memory_space<semaphore_mem>>)
    } else {
    }
    tpu.enqueue_dma source(%arg4 : memref<256xf32, #tpu.memory_space<hbm>>) target(%arg14 : memref<256xf32, #tpu.memory_space<vmem>>) target_semaphore(%arg21 : memref<!tpu.dma_semaphore, #tpu.memory_space<semaphore_mem>>)
    tpu.enqueue_dma source(%arg5 : memref<256xf32, #tpu.memory_space<hbm>>) target(%arg15 : memref<256xf32, #tpu.memory_space<vmem>>) target_semaphore(%arg21 : memref<!tpu.dma_semaphore, #tpu.memory_space<semaphore_mem>>)
    tpu.enqueue_dma source(%arg6 : memref<256xf32, #tpu.memory_space<hbm>>) target(%arg16 : memref<256xf32, #tpu.memory_space<vmem>>) target_semaphore(%arg21 : memref<!tpu.dma_semaphore, #tpu.memory_space<semaphore_mem>>)
    %dma_start3A = arith.constant 0 : i32
    %dma_start3A_9 = tpu.memref_slice %arg17[%dma_start3A] : memref<16xf32, #tpu.memory_space<vmem>> -> memref<1xf32, #tpu.memory_space<vmem>>
    %dma_start3A_10 = arith.constant 0 : i32
    %dma_start3A_11 = tpu.memref_slice %arg17[%dma_start3A_10] : memref<16xf32, #tpu.memory_space<vmem>> -> memref<1xf32, #tpu.memory_space<vmem>>
    tpu.enqueue_dma source(%arg7 : memref<1xf32, #tpu.memory_space<hbm>>) target(%dma_start3A_11 : memref<1xf32, #tpu.memory_space<vmem>>) target_semaphore(%arg21 : memref<!tpu.dma_semaphore, #tpu.memory_space<semaphore_mem>>)
    %eq3A_12 = arith.constant 0 : i32
    %eq3A_13 = arith.cmpi eq, %arg1, %eq3A_12 : i32
    %convert_element_type3A_14 = arith.extui %eq3A_13 : i1 to i32
    %cond3A_15 = arith.constant 0 : i32
    %cond3A_16 = arith.cmpi ne, %convert_element_type3A_14, %cond3A_15 : i32
    scf.if %cond3A_16 {
      %broadcast_in_dim3A_256 = arith.constant -1 : i32
      %broadcast_in_dim3A_257 = vector.broadcast %broadcast_in_dim3A_256 : i32 to vector<16xi32>
      %swap3A_258 = arith.constant 0 : index
      %swap3A_259 = tpu.vector_load %arg9[%swap3A_258] {strides = array<i32>} : memref<3152xi32, #tpu.memory_space<vmem>>, vector<16xi32>,
      tpu.vector_store %arg9[%swap3A_258], %broadcast_in_dim3A_257 {strides = array<i32>} : memref<3152xi32, #tpu.memory_space<vmem>>, vector<16xi32>,
    } else {
    }
    %gt3A = arith.constant 0 : i32
    %gt3A_17 = arith.cmpi sgt, %arg1, %gt3A : i32
    %convert_element_type3A_18 = arith.extui %gt3A_17 : i1 to i32
    %cond3A_19 = arith.constant 0 : i32
    %cond3A_20 = arith.cmpi ne, %convert_element_type3A_18, %cond3A_19 : i32
    scf.if %cond3A_20 {
      %sub3A_256 = arith.constant 16 : i32
      %sub3A_257 = arith.subi %mul3A_2, %sub3A_256 : i32
      %dma_start3A_258 = arith.constant 0 : i32
      %dma_start3A_259 = tpu.memref_slice %arg9[%dma_start3A_258] : memref<3152xi32, #tpu.memory_space<vmem>> -> memref<16xi32, #tpu.memory_space<vmem>>
      %dma_start3A_260 = tpu.memref_slice %arg3[%sub3A_257] : memref<50000xi32, #tpu.memory_space<hbm>> -> memref<16xi32, #tpu.memory_space<hbm>>
      %dma_start3A_261 = arith.constant 0 : i32
      %dma_start3A_262 = tpu.memref_slice %arg9[%dma_start3A_261] : memref<3152xi32, #tpu.memory_space<vmem>> -> memref<16xi32, #tpu.memory_space<vmem>>
      %dma_start3A_263 = tpu.memref_slice %arg3[%sub3A_257] : memref<50000xi32, #tpu.memory_space<hbm>> -> memref<16xi32, #tpu.memory_space<hbm>>
      tpu.enqueue_dma source(%dma_start3A_263 : memref<16xi32, #tpu.memory_space<hbm>>) target(%dma_start3A_262 : memref<16xi32, #tpu.memory_space<vmem>>) target_semaphore(%arg20 : memref<!tpu.dma_semaphore, #tpu.memory_space<semaphore_mem>>)
    } else {
    }
    %broadcast_in_dim3A = arith.constant 0 : i32
    %broadcast_in_dim3A_21 = vector.broadcast %broadcast_in_dim3A : i32 to vector<16xi32>
    %parallel_loop3A = arith.constant 0 : i32
    %parallel_loop3A_22 = arith.constant 16 : i32
    %parallel_loop3A_23 = arith.constant 1 : i32
    scf.for %parallel_loop3A_256 = %parallel_loop3A to %parallel_loop3A_22 step %parallel_loop3A_23  : i32 {
      %parallel_loop3A_257 = arith.index_cast %parallel_loop3A_256 : i32 to index
      %parallel_loop3A_258 = arith.constant 0 : index
      %parallel_loop3A_259 = tpu.vector_load %arg10[%parallel_loop3A_257, %parallel_loop3A_258] {strides = array<i32>} : memref<16x128xi32, #tpu.memory_space<vmem>>, vector<16xi32>,
      tpu.vector_store %arg10[%parallel_loop3A_257, %parallel_loop3A_258], %broadcast_in_dim3A_21 {strides = array<i32>} : memref<16x128xi32, #tpu.memory_space<vmem>>, vector<16xi32>,
      %parallel_loop3A_260 = arith.index_cast %parallel_loop3A_256 : i32 to index
      %parallel_loop3A_261 = arith.constant 16 : index
      %parallel_loop3A_262 = tpu.vector_load %arg10[%parallel_loop3A_260, %parallel_loop3A_261] {strides = array<i32>} : memref<16x128xi32, #tpu.memory_space<vmem>>, vector<16xi32>,
      tpu.vector_store %arg10[%parallel_loop3A_260, %parallel_loop3A_261], %broadcast_in_dim3A_21 {strides = array<i32>} : memref<16x128xi32, #tpu.memory_space<vmem>>, vector<16xi32>,
      %parallel_loop3A_263 = arith.index_cast %parallel_loop3A_256 : i32 to index
      %parallel_loop3A_264 = arith.constant 32 : index
      %parallel_loop3A_265 = tpu.vector_load %arg10[%parallel_loop3A_263, %parallel_loop3A_264] {strides = array<i32>} : memref<16x128xi32, #tpu.memory_space<vmem>>, vector<16xi32>,
      tpu.vector_store %arg10[%parallel_loop3A_263, %parallel_loop3A_264], %broadcast_in_dim3A_21 {strides = array<i32>} : memref<16x128xi32, #tpu.memory_space<vmem>>, vector<16xi32>,
      %parallel_loop3A_266 = arith.index_cast %parallel_loop3A_256 : i32 to index
      %parallel_loop3A_267 = arith.constant 48 : index
      %parallel_loop3A_268 = tpu.vector_load %arg10[%parallel_loop3A_266, %parallel_loop3A_267] {strides = array<i32>} : memref<16x128xi32, #tpu.memory_space<vmem>>, vector<16xi32>,
      tpu.vector_store %arg10[%parallel_loop3A_266, %parallel_loop3A_267], %broadcast_in_dim3A_21 {strides = array<i32>} : memref<16x128xi32, #tpu.memory_space<vmem>>, vector<16xi32>,
      %parallel_loop3A_269 = arith.index_cast %parallel_loop3A_256 : i32 to index
      %parallel_loop3A_270 = arith.constant 64 : index
      %parallel_loop3A_271 = tpu.vector_load %arg10[%parallel_loop3A_269, %parallel_loop3A_270] {strides = array<i32>} : memref<16x128xi32, #tpu.memory_space<vmem>>, vector<16xi32>,
      tpu.vector_store %arg10[%parallel_loop3A_269, %parallel_loop3A_270], %broadcast_in_dim3A_21 {strides = array<i32>} : memref<16x128xi32, #tpu.memory_space<vmem>>, vector<16xi32>,
      %parallel_loop3A_272 = arith.index_cast %parallel_loop3A_256 : i32 to index
      %parallel_loop3A_273 = arith.constant 80 : index
      %parallel_loop3A_274 = tpu.vector_load %arg10[%parallel_loop3A_272, %parallel_loop3A_273] {strides = array<i32>} : memref<16x128xi32, #tpu.memory_space<vmem>>, vector<16xi32>,
      tpu.vector_store %arg10[%parallel_loop3A_272, %parallel_loop3A_273], %broadcast_in_dim3A_21 {strides = array<i32>} : memref<16x128xi32, #tpu.memory_space<vmem>>, vector<16xi32>,
      %parallel_loop3A_275 = arith.index_cast %parallel_loop3A_256 : i32 to index
      %parallel_loop3A_276 = arith.constant 96 : index
      %parallel_loop3A_277 = tpu.vector_load %arg10[%parallel_loop3A_275, %parallel_loop3A_276] {strides = array<i32>} : memref<16x128xi32, #tpu.memory_space<vmem>>, vector<16xi32>,
      tpu.vector_store %arg10[%parallel_loop3A_275, %parallel_loop3A_276], %broadcast_in_dim3A_21 {strides = array<i32>} : memref<16x128xi32, #tpu.memory_space<vmem>>, vector<16xi32>,
      %parallel_loop3A_278 = arith.index_cast %parallel_loop3A_256 : i32 to index
      %parallel_loop3A_279 = arith.constant 112 : index
      %parallel_loop3A_280 = tpu.vector_load %arg10[%parallel_loop3A_278, %parallel_loop3A_279] {strides = array<i32>} : memref<16x128xi32, #tpu.memory_space<vmem>>, vector<16xi32>,
      tpu.vector_store %arg10[%parallel_loop3A_278, %parallel_loop3A_279], %broadcast_in_dim3A_21 {strides = array<i32>} : memref<16x128xi32, #tpu.memory_space<vmem>>, vector<16xi32>,
    } {sc.loop_unroll_factor = 2 : i64, sc.parallel_access}
    %eq3A_24 = arith.constant 0 : i32
    %eq3A_25 = arith.cmpi eq, %arg1, %eq3A_24 : i32
    %convert_element_type3A_26 = arith.extui %eq3A_25 : i1 to i32
    %cond3A_27 = arith.constant 0 : i32
    %cond3A_28 = arith.cmpi ne, %convert_element_type3A_26, %cond3A_27 : i32
    scf.if %cond3A_28 {
      "tpu.region"() ({
        %run_scoped3A = tpu.sem_alloc : memref<!tpu.dma_semaphore, #tpu.memory_space<semaphore_mem>>
        tpu.enqueue_dma source(%arg10 : memref<16x128xi32, #tpu.memory_space<vmem>>) target(%arg19 : memref<16x128xi32, #tpu.memory_space<vmem_shared>>) target_semaphore(%run_scoped3A : memref<!tpu.dma_semaphore, #tpu.memory_space<semaphore_mem>>)
        tpu.wait_dma2 semaphore(%run_scoped3A : memref<!tpu.dma_semaphore, #tpu.memory_space<semaphore_mem>>) src(%arg10 : memref<16x128xi32, #tpu.memory_space<vmem>>) dst(%arg19 : memref<16x128xi32, #tpu.memory_space<vmem_shared>>)
        tpu.yield
      }) : () -> ()
    } else {
    }
    %lt3A_29 = arith.constant 15 : i32
    %lt3A_30 = arith.cmpi slt, %arg1, %lt3A_29 : i32
    %convert_element_type3A_31 = arith.extui %lt3A_30 : i1 to i32
    %cond3A_32 = arith.constant 0 : i32
    %cond3A_33 = arith.cmpi ne, %convert_element_type3A_31, %cond3A_32 : i32
    scf.if %cond3A_33 {
      %dma_wait3A_256 = arith.constant 16 : i32
      %dma_wait3A_257 = tpu.memref_slice %arg9[%dma_wait3A_256] : memref<3152xi32, #tpu.memory_space<vmem>> -> memref<3136xi32, #tpu.memory_space<vmem>>
      %dma_wait3A_258 = tpu.memref_slice %arg3[%mul3A_2] : memref<50000xi32, #tpu.memory_space<hbm>> -> memref<3136xi32, #tpu.memory_space<hbm>>
      %dma_wait3A_259 = arith.constant 16 : i32
      %dma_wait3A_260 = tpu.memref_slice %arg9[%dma_wait3A_259] : memref<3152xi32, #tpu.memory_space<vmem>> -> memref<3136xi32, #tpu.memory_space<vmem>>
      %dma_wait3A_261 = tpu.memref_slice %arg3[%mul3A_2] : memref<50000xi32, #tpu.memory_space<hbm>> -> memref<3136xi32, #tpu.memory_space<hbm>>
      tpu.wait_dma2 semaphore(%arg20 : memref<!tpu.dma_semaphore, #tpu.memory_space<semaphore_mem>>) src(%dma_wait3A_261 : memref<3136xi32, #tpu.memory_space<hbm>>) dst(%dma_wait3A_260 : memref<3136xi32, #tpu.memory_space<vmem>>)
    } else {
    }
    %eq3A_34 = arith.constant 15 : i32
    %eq3A_35 = arith.cmpi eq, %arg1, %eq3A_34 : i32
    %convert_element_type3A_36 = arith.extui %eq3A_35 : i1 to i32
    %cond3A_37 = arith.constant 0 : i32
    %cond3A_38 = arith.cmpi ne, %convert_element_type3A_36, %cond3A_37 : i32
    scf.if %cond3A_38 {
      %dma_wait3A_256 = arith.constant 16 : i32
      %dma_wait3A_257 = tpu.memref_slice %arg9[%dma_wait3A_256] : memref<3152xi32, #tpu.memory_space<vmem>> -> memref<2960xi32, #tpu.memory_space<vmem>>
      %dma_wait3A_258 = tpu.memref_slice %arg3[%mul3A_2] : memref<50000xi32, #tpu.memory_space<hbm>> -> memref<2960xi32, #tpu.memory_space<hbm>>
      %dma_wait3A_259 = arith.constant 16 : i32
      %dma_wait3A_260 = tpu.memref_slice %arg9[%dma_wait3A_259] : memref<3152xi32, #tpu.memory_space<vmem>> -> memref<2960xi32, #tpu.memory_space<vmem>>
      %dma_wait3A_261 = tpu.memref_slice %arg3[%mul3A_2] : memref<50000xi32, #tpu.memory_space<hbm>> -> memref<2960xi32, #tpu.memory_space<hbm>>
      tpu.wait_dma2 semaphore(%arg20 : memref<!tpu.dma_semaphore, #tpu.memory_space<semaphore_mem>>) src(%dma_wait3A_261 : memref<2960xi32, #tpu.memory_space<hbm>>) dst(%dma_wait3A_260 : memref<2960xi32, #tpu.memory_space<vmem>>)
    } else {
    }
    %gt3A_39 = arith.constant 0 : i32
    %gt3A_40 = arith.cmpi sgt, %arg1, %gt3A_39 : i32
    %convert_element_type3A_41 = arith.extui %gt3A_40 : i1 to i32
    %cond3A_42 = arith.constant 0 : i32
    %cond3A_43 = arith.cmpi ne, %convert_element_type3A_41, %cond3A_42 : i32
    scf.if %cond3A_43 {
      %sub3A_256 = arith.constant 16 : i32
      %sub3A_257 = arith.subi %mul3A_2, %sub3A_256 : i32
      %dma_wait3A_258 = arith.constant 0 : i32
      %dma_wait3A_259 = tpu.memref_slice %arg9[%dma_wait3A_258] : memref<3152xi32, #tpu.memory_space<vmem>> -> memref<16xi32, #tpu.memory_space<vmem>>
      %dma_wait3A_260 = tpu.memref_slice %arg3[%sub3A_257] : memref<50000xi32, #tpu.memory_space<hbm>> -> memref<16xi32, #tpu.memory_space<hbm>>
      %dma_wait3A_261 = arith.constant 0 : i32
      %dma_wait3A_262 = tpu.memref_slice %arg9[%dma_wait3A_261] : memref<3152xi32, #tpu.memory_space<vmem>> -> memref<16xi32, #tpu.memory_space<vmem>>
      %dma_wait3A_263 = tpu.memref_slice %arg3[%sub3A_257] : memref<50000xi32, #tpu.memory_space<hbm>> -> memref<16xi32, #tpu.memory_space<hbm>>
      tpu.wait_dma2 semaphore(%arg20 : memref<!tpu.dma_semaphore, #tpu.memory_space<semaphore_mem>>) src(%dma_wait3A_263 : memref<16xi32, #tpu.memory_space<hbm>>) dst(%dma_wait3A_262 : memref<16xi32, #tpu.memory_space<vmem>>)
    } else {
    }
    %parallel_loop3A_44 = arith.constant 0 : i32
    %parallel_loop3A_45 = arith.constant 196 : i32
    %parallel_loop3A_46 = arith.constant 1 : i32
    scf.for %parallel_loop3A_256 = %parallel_loop3A_44 to %parallel_loop3A_45 step %parallel_loop3A_46  : i32 {
      %parallel_loop3A_257 = arith.constant 16 : i32
      %parallel_loop3A_258 = arith.muli %parallel_loop3A_256, %parallel_loop3A_257 : i32
      %parallel_loop3A_259 = arith.constant 16 : i32
      %parallel_loop3A_260 = arith.addi %parallel_loop3A_258, %parallel_loop3A_259 : i32
      %parallel_loop3A_261 = arith.index_cast %parallel_loop3A_260 : i32 to index
      %parallel_loop3A_262 = tpu.vector_load %arg9[%parallel_loop3A_261] {strides = array<i32>} : memref<3152xi32, #tpu.memory_space<vmem>>, vector<16xi32>,
      %parallel_loop3A_263 = arith.constant 16 : i32
      %parallel_loop3A_264 = arith.addi %parallel_loop3A_258, %parallel_loop3A_263 : i32
      %parallel_loop3A_265 = arith.constant 1 : i32
      %parallel_loop3A_266 = arith.subi %parallel_loop3A_264, %parallel_loop3A_265 : i32
      %parallel_loop3A_267 = arith.index_cast %parallel_loop3A_266 : i32 to index
      %parallel_loop3A_268 = tpu.vector_load %arg9[%parallel_loop3A_267] {strides = array<i32>} : memref<3152xi32, #tpu.memory_space<vmem>>, vector<16xi32>,
      %parallel_loop3A_269 = arith.addi %mul3A_2, %parallel_loop3A_258 : i32
      %parallel_loop3A_270 = vector.broadcast %parallel_loop3A_269 : i32 to vector<16xi32>
      %parallel_loop3A_271 = arith.addi %parallel_loop3A_270, %iota3A : vector<16xi32>
      %parallel_loop3A_272 = arith.cmpi ne, %parallel_loop3A_262, %parallel_loop3A_268 : vector<16xi32>
      %parallel_loop3A_273 = arith.constant 50000 : i32
      %parallel_loop3A_274 = vector.broadcast %parallel_loop3A_273 : i32 to vector<16xi32>
      %parallel_loop3A_275 = arith.cmpi slt, %parallel_loop3A_271, %parallel_loop3A_274 : vector<16xi32>
      %parallel_loop3A_276 = arith.andi %parallel_loop3A_272, %parallel_loop3A_275 : vector<16xi1>
      %parallel_loop3A_277 = arith.constant 0 : i32
      %parallel_loop3A_278 = arith.constant 511 : i32
      %parallel_loop3A_279 = vector.broadcast %parallel_loop3A_277 : i32 to vector<16xi32>
      %parallel_loop3A_280 = arith.maxsi %parallel_loop3A_279, %parallel_loop3A_262 : vector<16xi32>
      %parallel_loop3A_281 = vector.broadcast %parallel_loop3A_278 : i32 to vector<16xi32>
      %parallel_loop3A_282 = arith.minsi %parallel_loop3A_281, %parallel_loop3A_280 : vector<16xi32>
      %parallel_loop3A_283 = arith.constant 5 : i32
      %parallel_loop3A_284 = vector.broadcast %parallel_loop3A_283 : i32 to vector<16xi32>
      %parallel_loop3A_285 = arith.shrui %parallel_loop3A_282, %parallel_loop3A_284 : vector<16xi32>
      %parallel_loop3A_286 = arith.constant 31 : i32
      %parallel_loop3A_287 = vector.broadcast %parallel_loop3A_286 : i32 to vector<16xi32>
      %parallel_loop3A_288 = arith.andi %parallel_loop3A_282, %parallel_loop3A_287 : vector<16xi32>
      %parallel_loop3A_289 = arith.constant 1 : i32
      %parallel_loop3A_290 = vector.broadcast %parallel_loop3A_289 : i32 to vector<16xi32>
      %parallel_loop3A_291 = arith.addi %parallel_loop3A_271, %parallel_loop3A_290 : vector<16xi32>
      tpu.vector_store_idx %arg10[%parallel_loop3A_285, %parallel_loop3A_288], %parallel_loop3A_291 masked %parallel_loop3A_276 {add = true} : memref<16x128xi32, #tpu.memory_space<vmem>>[vector<16xi32>, vector<16xi32>], vector<16xi32>, vector<16xi1>
    } {sc.loop_unroll_factor = 8 : i64, sc.parallel_access}
    %barrier3A = arith.constant 0 : index
    tpu.barrier barrier_id(%barrier3A)
    "tpu.region"() ({
      %run_scoped3A = tpu.sem_alloc : memref<!tpu.dma_semaphore, #tpu.memory_space<semaphore_mem>>
      %dma_start3A_256 = arith.constant 0 : i32
      %dma_start3A_257 = arith.constant 0 : i32
      %dma_start3A_258 = tpu.memref_slice %arg19[%dma_start3A_256, %dma_start3A_257] : memref<16x128xi32, #tpu.memory_space<vmem_shared>> -> memref<16x128xi32, #tpu.memory_space<vmem_shared>>
      tpu.enqueue_indirect_dma source(%arg10 : memref<16x128xi32, #tpu.memory_space<vmem>>) target(%dma_start3A_258 : memref<16x128xi32, #tpu.memory_space<vmem_shared>>) offsets(%iota3A : vector<16xi32>) semaphore(%run_scoped3A : memref<!tpu.dma_semaphore, #tpu.memory_space<semaphore_mem>>) {add = true}
      %dma_wait3A_259 = arith.constant 0 : i32
      %dma_wait3A_260 = arith.constant 0 : i32
      %dma_wait3A_261 = tpu.memref_slice %arg19[%dma_wait3A_259, %dma_wait3A_260] : memref<16x128xi32, #tpu.memory_space<vmem_shared>> -> memref<16x128xi32, #tpu.memory_space<vmem_shared>>
      tpu.wait_indirect_dma semaphore(%run_scoped3A : memref<!tpu.dma_semaphore, #tpu.memory_space<semaphore_mem>>) src(%arg10 : memref<16x128xi32, #tpu.memory_space<vmem>>) dst(%dma_wait3A_261 : memref<16x128xi32, #tpu.memory_space<vmem_shared>>)
      tpu.yield
    }) : () -> ()
    %barrier3A_47 = arith.constant 0 : index
    tpu.barrier barrier_id(%barrier3A_47)
    %shift_right_arithmetic3A = arith.constant 1 : i32
    %shift_right_arithmetic3A_48 = arith.shrsi %add3A, %shift_right_arithmetic3A : i32
    %and3A = arith.constant 1 : i32
    %and3A_49 = arith.andi %add3A, %and3A : i32
    %mul3A_50 = arith.constant 16 : i32
    %mul3A_51 = arith.muli %and3A_49, %mul3A_50 : i32
    "tpu.region"() ({
      %run_scoped3A = tpu.sem_alloc : memref<!tpu.dma_semaphore, #tpu.memory_space<semaphore_mem>>
      %dma_start3A_256 = tpu.memref_slice %arg19[%shift_right_arithmetic3A_48, %mul3A_51] : memref<16x128xi32, #tpu.memory_space<vmem_shared>> -> memref<1x16xi32, #tpu.memory_space<vmem_shared>>
      %dma_start3A_257 = tpu.memref_squeeze %dma_start3A_256 : memref<1x16xi32, #tpu.memory_space<vmem_shared>> -> memref<16xi32, #tpu.memory_space<vmem_shared>>
      %dma_start3A_258 = tpu.memref_slice %arg19[%shift_right_arithmetic3A_48, %mul3A_51] : memref<16x128xi32, #tpu.memory_space<vmem_shared>> -> memref<1x16xi32, #tpu.memory_space<vmem_shared>>
      %dma_start3A_259 = tpu.memref_squeeze %dma_start3A_258 : memref<1x16xi32, #tpu.memory_space<vmem_shared>> -> memref<16xi32, #tpu.memory_space<vmem_shared>>
      tpu.enqueue_dma source(%dma_start3A_259 : memref<16xi32, #tpu.memory_space<vmem_shared>>) target(%arg11 : memref<16xi32, #tpu.memory_space<vmem>>) target_semaphore(%run_scoped3A : memref<!tpu.dma_semaphore, #tpu.memory_space<semaphore_mem>>)
      %dma_wait3A_260 = tpu.memref_slice %arg19[%shift_right_arithmetic3A_48, %mul3A_51] : memref<16x128xi32, #tpu.memory_space<vmem_shared>> -> memref<1x16xi32, #tpu.memory_space<vmem_shared>>
      %dma_wait3A_261 = tpu.memref_squeeze %dma_wait3A_260 : memref<1x16xi32, #tpu.memory_space<vmem_shared>> -> memref<16xi32, #tpu.memory_space<vmem_shared>>
      %dma_wait3A_262 = tpu.memref_slice %arg19[%shift_right_arithmetic3A_48, %mul3A_51] : memref<16x128xi32, #tpu.memory_space<vmem_shared>> -> memref<1x16xi32, #tpu.memory_space<vmem_shared>>
      %dma_wait3A_263 = tpu.memref_squeeze %dma_wait3A_262 : memref<1x16xi32, #tpu.memory_space<vmem_shared>> -> memref<16xi32, #tpu.memory_space<vmem_shared>>
      tpu.wait_dma2 semaphore(%run_scoped3A : memref<!tpu.dma_semaphore, #tpu.memory_space<semaphore_mem>>) src(%dma_wait3A_263 : memref<16xi32, #tpu.memory_space<vmem_shared>>) dst(%arg11 : memref<16xi32, #tpu.memory_space<vmem>>)
      tpu.yield
    }) : () -> ()
    %get3A = arith.constant 0 : index
    %get3A_52 = tpu.vector_load %arg11[%get3A] {strides = array<i32>} : memref<16xi32, #tpu.memory_space<vmem>>, vector<16xi32>,
    %gt3A_53 = arith.constant 0 : i32
    %gt3A_54 = vector.broadcast %gt3A_53 : i32 to vector<16xi32>
    %gt3A_55 = arith.cmpi sgt, %get3A_52, %gt3A_54 : vector<16xi32>
    %sub3A = arith.constant 1 : i32
    %sub3A_56 = vector.broadcast %sub3A : i32 to vector<16xi32>
    %sub3A_57 = arith.subi %get3A_52, %sub3A_56 : vector<16xi32>
    %max3A = arith.constant 0 : i32
    %max3A_58 = vector.broadcast %max3A : i32 to vector<16xi32>
    %max3A_59 = arith.maxsi %sub3A_57, %max3A_58 : vector<16xi32>
    %swap3A = arith.constant 0 : index
    %swap3A_60 = tpu.vector_load %arg12[%swap3A] {strides = array<i32>} : memref<16xi32, #tpu.memory_space<vmem>>, vector<16xi32>,
    tpu.vector_store %arg12[%swap3A], %max3A_59 {strides = array<i32>} : memref<16xi32, #tpu.memory_space<vmem>>, vector<16xi32>,
    %dma_start3A_61 = arith.constant 0 : i32
    %dma_start3A_62 = arith.constant 0 : i32
    %dma_start3A_63 = tpu.memref_slice %arg2[%dma_start3A_61, %dma_start3A_62] : memref<50000x256xf32, #tpu.memory_space<hbm>> -> memref<50000x256xf32, #tpu.memory_space<hbm>>
    tpu.enqueue_indirect_dma source(%dma_start3A_63 : memref<50000x256xf32, #tpu.memory_space<hbm>>) target(%arg13 : memref<16x256xf32, #tpu.memory_space<vmem>>) offsets(%arg12 : memref<16xi32, #tpu.memory_space<vmem>>) semaphore(%arg20 : memref<!tpu.dma_semaphore, #tpu.memory_space<semaphore_mem>>)
    tpu.wait_dma2 semaphore(%arg21 : memref<!tpu.dma_semaphore, #tpu.memory_space<semaphore_mem>>) src(%arg4 : memref<256xf32, #tpu.memory_space<hbm>>) dst(%arg14 : memref<256xf32, #tpu.memory_space<vmem>>)
    tpu.wait_dma2 semaphore(%arg21 : memref<!tpu.dma_semaphore, #tpu.memory_space<semaphore_mem>>) src(%arg5 : memref<256xf32, #tpu.memory_space<hbm>>) dst(%arg15 : memref<256xf32, #tpu.memory_space<vmem>>)
    tpu.wait_dma2 semaphore(%arg21 : memref<!tpu.dma_semaphore, #tpu.memory_space<semaphore_mem>>) src(%arg6 : memref<256xf32, #tpu.memory_space<hbm>>) dst(%arg16 : memref<256xf32, #tpu.memory_space<vmem>>)
    %dma_wait3A = arith.constant 0 : i32
    %dma_wait3A_64 = tpu.memref_slice %arg17[%dma_wait3A] : memref<16xf32, #tpu.memory_space<vmem>> -> memref<1xf32, #tpu.memory_space<vmem>>
    %dma_wait3A_65 = arith.constant 0 : i32
    %dma_wait3A_66 = tpu.memref_slice %arg17[%dma_wait3A_65] : memref<16xf32, #tpu.memory_space<vmem>> -> memref<1xf32, #tpu.memory_space<vmem>>
    tpu.wait_dma2 semaphore(%arg21 : memref<!tpu.dma_semaphore, #tpu.memory_space<semaphore_mem>>) src(%arg7 : memref<1xf32, #tpu.memory_space<hbm>>) dst(%dma_wait3A_66 : memref<1xf32, #tpu.memory_space<vmem>>)
    %broadcast_in_dim3A_67 = arith.constant 0.000000e+00 : f32
    %broadcast_in_dim3A_68 = vector.broadcast %broadcast_in_dim3A_67 : f32 to vector<16xf32>
    %broadcast_in_dim3A_69 = arith.constant 0.000000e+00 : f32
    %broadcast_in_dim3A_70 = vector.broadcast %broadcast_in_dim3A_69 : f32 to vector<16xf32>
    %get3A_71 = arith.constant 0 : index
    %get3A_72 = tpu.vector_load %arg16[%get3A_71] {strides = array<i32>} : memref<256xf32, #tpu.memory_space<vmem>>, vector<16xf32>,
    %get3A_73 = arith.constant 0 : index
    %get3A_74 = tpu.vector_load %arg14[%get3A_73] {strides = array<i32>} : memref<256xf32, #tpu.memory_space<vmem>>, vector<16xf32>,
    %mul3A_75 = arith.mulf %get3A_74, %get3A_72 : vector<16xf32>
    %add3A_76 = arith.addf %broadcast_in_dim3A_68, %mul3A_75 : vector<16xf32>
    %get3A_77 = arith.constant 0 : index
    %get3A_78 = tpu.vector_load %arg15[%get3A_77] {strides = array<i32>} : memref<256xf32, #tpu.memory_space<vmem>>, vector<16xf32>,
    %mul3A_79 = arith.mulf %get3A_78, %get3A_72 : vector<16xf32>
    %add3A_80 = arith.addf %broadcast_in_dim3A_70, %mul3A_79 : vector<16xf32>
    %get3A_81 = arith.constant 16 : index
    %get3A_82 = tpu.vector_load %arg16[%get3A_81] {strides = array<i32>} : memref<256xf32, #tpu.memory_space<vmem>>, vector<16xf32>,
    %get3A_83 = arith.constant 16 : index
    %get3A_84 = tpu.vector_load %arg14[%get3A_83] {strides = array<i32>} : memref<256xf32, #tpu.memory_space<vmem>>, vector<16xf32>,
    %mul3A_85 = arith.mulf %get3A_84, %get3A_82 : vector<16xf32>
    %add3A_86 = arith.addf %add3A_76, %mul3A_85 : vector<16xf32>
    %get3A_87 = arith.constant 16 : index
    %get3A_88 = tpu.vector_load %arg15[%get3A_87] {strides = array<i32>} : memref<256xf32, #tpu.memory_space<vmem>>, vector<16xf32>,
    %mul3A_89 = arith.mulf %get3A_88, %get3A_82 : vector<16xf32>
    %add3A_90 = arith.addf %add3A_80, %mul3A_89 : vector<16xf32>
    %get3A_91 = arith.constant 32 : index
    %get3A_92 = tpu.vector_load %arg16[%get3A_91] {strides = array<i32>} : memref<256xf32, #tpu.memory_space<vmem>>, vector<16xf32>,
    %get3A_93 = arith.constant 32 : index
    %get3A_94 = tpu.vector_load %arg14[%get3A_93] {strides = array<i32>} : memref<256xf32, #tpu.memory_space<vmem>>, vector<16xf32>,
    %mul3A_95 = arith.mulf %get3A_94, %get3A_92 : vector<16xf32>
    %add3A_96 = arith.addf %add3A_86, %mul3A_95 : vector<16xf32>
    %get3A_97 = arith.constant 32 : index
    %get3A_98 = tpu.vector_load %arg15[%get3A_97] {strides = array<i32>} : memref<256xf32, #tpu.memory_space<vmem>>, vector<16xf32>,
    %mul3A_99 = arith.mulf %get3A_98, %get3A_92 : vector<16xf32>
    %add3A_100 = arith.addf %add3A_90, %mul3A_99 : vector<16xf32>
    %get3A_101 = arith.constant 48 : index
    %get3A_102 = tpu.vector_load %arg16[%get3A_101] {strides = array<i32>} : memref<256xf32, #tpu.memory_space<vmem>>, vector<16xf32>,
    %get3A_103 = arith.constant 48 : index
    %get3A_104 = tpu.vector_load %arg14[%get3A_103] {strides = array<i32>} : memref<256xf32, #tpu.memory_space<vmem>>, vector<16xf32>,
    %mul3A_105 = arith.mulf %get3A_104, %get3A_102 : vector<16xf32>
    %add3A_106 = arith.addf %add3A_96, %mul3A_105 : vector<16xf32>
    %get3A_107 = arith.constant 48 : index
    %get3A_108 = tpu.vector_load %arg15[%get3A_107] {strides = array<i32>} : memref<256xf32, #tpu.memory_space<vmem>>, vector<16xf32>,
    %mul3A_109 = arith.mulf %get3A_108, %get3A_102 : vector<16xf32>
    %add3A_110 = arith.addf %add3A_100, %mul3A_109 : vector<16xf32>
    %get3A_111 = arith.constant 64 : index
    %get3A_112 = tpu.vector_load %arg16[%get3A_111] {strides = array<i32>} : memref<256xf32, #tpu.memory_space<vmem>>, vector<16xf32>,
    %get3A_113 = arith.constant 64 : index
    %get3A_114 = tpu.vector_load %arg14[%get3A_113] {strides = array<i32>} : memref<256xf32, #tpu.memory_space<vmem>>, vector<16xf32>,
    %mul3A_115 = arith.mulf %get3A_114, %get3A_112 : vector<16xf32>
    %add3A_116 = arith.addf %add3A_106, %mul3A_115 : vector<16xf32>
    %get3A_117 = arith.constant 64 : index
    %get3A_118 = tpu.vector_load %arg15[%get3A_117] {strides = array<i32>} : memref<256xf32, #tpu.memory_space<vmem>>, vector<16xf32>,
    %mul3A_119 = arith.mulf %get3A_118, %get3A_112 : vector<16xf32>
    %add3A_120 = arith.addf %add3A_110, %mul3A_119 : vector<16xf32>
    %get3A_121 = arith.constant 80 : index
    %get3A_122 = tpu.vector_load %arg16[%get3A_121] {strides = array<i32>} : memref<256xf32, #tpu.memory_space<vmem>>, vector<16xf32>,
    %get3A_123 = arith.constant 80 : index
    %get3A_124 = tpu.vector_load %arg14[%get3A_123] {strides = array<i32>} : memref<256xf32, #tpu.memory_space<vmem>>, vector<16xf32>,
    %mul3A_125 = arith.mulf %get3A_124, %get3A_122 : vector<16xf32>
    %add3A_126 = arith.addf %add3A_116, %mul3A_125 : vector<16xf32>
    %get3A_127 = arith.constant 80 : index
    %get3A_128 = tpu.vector_load %arg15[%get3A_127] {strides = array<i32>} : memref<256xf32, #tpu.memory_space<vmem>>, vector<16xf32>,
    %mul3A_129 = arith.mulf %get3A_128, %get3A_122 : vector<16xf32>
    %add3A_130 = arith.addf %add3A_120, %mul3A_129 : vector<16xf32>
    %get3A_131 = arith.constant 96 : index
    %get3A_132 = tpu.vector_load %arg16[%get3A_131] {strides = array<i32>} : memref<256xf32, #tpu.memory_space<vmem>>, vector<16xf32>,
    %get3A_133 = arith.constant 96 : index
    %get3A_134 = tpu.vector_load %arg14[%get3A_133] {strides = array<i32>} : memref<256xf32, #tpu.memory_space<vmem>>, vector<16xf32>,
    %mul3A_135 = arith.mulf %get3A_134, %get3A_132 : vector<16xf32>
    %add3A_136 = arith.addf %add3A_126, %mul3A_135 : vector<16xf32>
    %get3A_137 = arith.constant 96 : index
    %get3A_138 = tpu.vector_load %arg15[%get3A_137] {strides = array<i32>} : memref<256xf32, #tpu.memory_space<vmem>>, vector<16xf32>,
    %mul3A_139 = arith.mulf %get3A_138, %get3A_132 : vector<16xf32>
    %add3A_140 = arith.addf %add3A_130, %mul3A_139 : vector<16xf32>
    %get3A_141 = arith.constant 112 : index
    %get3A_142 = tpu.vector_load %arg16[%get3A_141] {strides = array<i32>} : memref<256xf32, #tpu.memory_space<vmem>>, vector<16xf32>,
    %get3A_143 = arith.constant 112 : index
    %get3A_144 = tpu.vector_load %arg14[%get3A_143] {strides = array<i32>} : memref<256xf32, #tpu.memory_space<vmem>>, vector<16xf32>,
    %mul3A_145 = arith.mulf %get3A_144, %get3A_142 : vector<16xf32>
    %add3A_146 = arith.addf %add3A_136, %mul3A_145 : vector<16xf32>
    %get3A_147 = arith.constant 112 : index
    %get3A_148 = tpu.vector_load %arg15[%get3A_147] {strides = array<i32>} : memref<256xf32, #tpu.memory_space<vmem>>, vector<16xf32>,
    %mul3A_149 = arith.mulf %get3A_148, %get3A_142 : vector<16xf32>
    %add3A_150 = arith.addf %add3A_140, %mul3A_149 : vector<16xf32>
    %get3A_151 = arith.constant 128 : index
    %get3A_152 = tpu.vector_load %arg16[%get3A_151] {strides = array<i32>} : memref<256xf32, #tpu.memory_space<vmem>>, vector<16xf32>,
    %get3A_153 = arith.constant 128 : index
    %get3A_154 = tpu.vector_load %arg14[%get3A_153] {strides = array<i32>} : memref<256xf32, #tpu.memory_space<vmem>>, vector<16xf32>,
    %mul3A_155 = arith.mulf %get3A_154, %get3A_152 : vector<16xf32>
    %add3A_156 = arith.addf %add3A_146, %mul3A_155 : vector<16xf32>
    %get3A_157 = arith.constant 128 : index
    %get3A_158 = tpu.vector_load %arg15[%get3A_157] {strides = array<i32>} : memref<256xf32, #tpu.memory_space<vmem>>, vector<16xf32>,
    %mul3A_159 = arith.mulf %get3A_158, %get3A_152 : vector<16xf32>
    %add3A_160 = arith.addf %add3A_150, %mul3A_159 : vector<16xf32>
    %get3A_161 = arith.constant 144 : index
    %get3A_162 = tpu.vector_load %arg16[%get3A_161] {strides = array<i32>} : memref<256xf32, #tpu.memory_space<vmem>>, vector<16xf32>,
    %get3A_163 = arith.constant 144 : index
    %get3A_164 = tpu.vector_load %arg14[%get3A_163] {strides = array<i32>} : memref<256xf32, #tpu.memory_space<vmem>>, vector<16xf32>,
    %mul3A_165 = arith.mulf %get3A_164, %get3A_162 : vector<16xf32>
    %add3A_166 = arith.addf %add3A_156, %mul3A_165 : vector<16xf32>
    %get3A_167 = arith.constant 144 : index
    %get3A_168 = tpu.vector_load %arg15[%get3A_167] {strides = array<i32>} : memref<256xf32, #tpu.memory_space<vmem>>, vector<16xf32>,
    %mul3A_169 = arith.mulf %get3A_168, %get3A_162 : vector<16xf32>
    %add3A_170 = arith.addf %add3A_160, %mul3A_169 : vector<16xf32>
    %get3A_171 = arith.constant 160 : index
    %get3A_172 = tpu.vector_load %arg16[%get3A_171] {strides = array<i32>} : memref<256xf32, #tpu.memory_space<vmem>>, vector<16xf32>,
    %get3A_173 = arith.constant 160 : index
    %get3A_174 = tpu.vector_load %arg14[%get3A_173] {strides = array<i32>} : memref<256xf32, #tpu.memory_space<vmem>>, vector<16xf32>,
    %mul3A_175 = arith.mulf %get3A_174, %get3A_172 : vector<16xf32>
    %add3A_176 = arith.addf %add3A_166, %mul3A_175 : vector<16xf32>
    %get3A_177 = arith.constant 160 : index
    %get3A_178 = tpu.vector_load %arg15[%get3A_177] {strides = array<i32>} : memref<256xf32, #tpu.memory_space<vmem>>, vector<16xf32>,
    %mul3A_179 = arith.mulf %get3A_178, %get3A_172 : vector<16xf32>
    %add3A_180 = arith.addf %add3A_170, %mul3A_179 : vector<16xf32>
    %get3A_181 = arith.constant 176 : index
    %get3A_182 = tpu.vector_load %arg16[%get3A_181] {strides = array<i32>} : memref<256xf32, #tpu.memory_space<vmem>>, vector<16xf32>,
    %get3A_183 = arith.constant 176 : index
    %get3A_184 = tpu.vector_load %arg14[%get3A_183] {strides = array<i32>} : memref<256xf32, #tpu.memory_space<vmem>>, vector<16xf32>,
    %mul3A_185 = arith.mulf %get3A_184, %get3A_182 : vector<16xf32>
    %add3A_186 = arith.addf %add3A_176, %mul3A_185 : vector<16xf32>
    %get3A_187 = arith.constant 176 : index
    %get3A_188 = tpu.vector_load %arg15[%get3A_187] {strides = array<i32>} : memref<256xf32, #tpu.memory_space<vmem>>, vector<16xf32>,
    %mul3A_189 = arith.mulf %get3A_188, %get3A_182 : vector<16xf32>
    %add3A_190 = arith.addf %add3A_180, %mul3A_189 : vector<16xf32>
    %get3A_191 = arith.constant 192 : index
    %get3A_192 = tpu.vector_load %arg16[%get3A_191] {strides = array<i32>} : memref<256xf32, #tpu.memory_space<vmem>>, vector<16xf32>,
    %get3A_193 = arith.constant 192 : index
    %get3A_194 = tpu.vector_load %arg14[%get3A_193] {strides = array<i32>} : memref<256xf32, #tpu.memory_space<vmem>>, vector<16xf32>,
    %mul3A_195 = arith.mulf %get3A_194, %get3A_192 : vector<16xf32>
    %add3A_196 = arith.addf %add3A_186, %mul3A_195 : vector<16xf32>
    %get3A_197 = arith.constant 192 : index
    %get3A_198 = tpu.vector_load %arg15[%get3A_197] {strides = array<i32>} : memref<256xf32, #tpu.memory_space<vmem>>, vector<16xf32>,
    %mul3A_199 = arith.mulf %get3A_198, %get3A_192 : vector<16xf32>
    %add3A_200 = arith.addf %add3A_190, %mul3A_199 : vector<16xf32>
    %get3A_201 = arith.constant 208 : index
    %get3A_202 = tpu.vector_load %arg16[%get3A_201] {strides = array<i32>} : memref<256xf32, #tpu.memory_space<vmem>>, vector<16xf32>,
    %get3A_203 = arith.constant 208 : index
    %get3A_204 = tpu.vector_load %arg14[%get3A_203] {strides = array<i32>} : memref<256xf32, #tpu.memory_space<vmem>>, vector<16xf32>,
    %mul3A_205 = arith.mulf %get3A_204, %get3A_202 : vector<16xf32>
    %add3A_206 = arith.addf %add3A_196, %mul3A_205 : vector<16xf32>
    %get3A_207 = arith.constant 208 : index
    %get3A_208 = tpu.vector_load %arg15[%get3A_207] {strides = array<i32>} : memref<256xf32, #tpu.memory_space<vmem>>, vector<16xf32>,
    %mul3A_209 = arith.mulf %get3A_208, %get3A_202 : vector<16xf32>
    %add3A_210 = arith.addf %add3A_200, %mul3A_209 : vector<16xf32>
    %get3A_211 = arith.constant 224 : index
    %get3A_212 = tpu.vector_load %arg16[%get3A_211] {strides = array<i32>} : memref<256xf32, #tpu.memory_space<vmem>>, vector<16xf32>,
    %get3A_213 = arith.constant 224 : index
    %get3A_214 = tpu.vector_load %arg14[%get3A_213] {strides = array<i32>} : memref<256xf32, #tpu.memory_space<vmem>>, vector<16xf32>,
    %mul3A_215 = arith.mulf %get3A_214, %get3A_212 : vector<16xf32>
    %add3A_216 = arith.addf %add3A_206, %mul3A_215 : vector<16xf32>
    %get3A_217 = arith.constant 224 : index
    %get3A_218 = tpu.vector_load %arg15[%get3A_217] {strides = array<i32>} : memref<256xf32, #tpu.memory_space<vmem>>, vector<16xf32>,
    %mul3A_219 = arith.mulf %get3A_218, %get3A_212 : vector<16xf32>
    %add3A_220 = arith.addf %add3A_210, %mul3A_219 : vector<16xf32>
    %get3A_221 = arith.constant 240 : index
    %get3A_222 = tpu.vector_load %arg16[%get3A_221] {strides = array<i32>} : memref<256xf32, #tpu.memory_space<vmem>>, vector<16xf32>,
    %get3A_223 = arith.constant 240 : index
    %get3A_224 = tpu.vector_load %arg14[%get3A_223] {strides = array<i32>} : memref<256xf32, #tpu.memory_space<vmem>>, vector<16xf32>,
    %mul3A_225 = arith.mulf %get3A_224, %get3A_222 : vector<16xf32>
    %add3A_226 = arith.addf %add3A_216, %mul3A_225 : vector<16xf32>
    %get3A_227 = arith.constant 240 : index
    %get3A_228 = tpu.vector_load %arg15[%get3A_227] {strides = array<i32>} : memref<256xf32, #tpu.memory_space<vmem>>, vector<16xf32>,
    %mul3A_229 = arith.mulf %get3A_228, %get3A_222 : vector<16xf32>
    %add3A_230 = arith.addf %add3A_220, %mul3A_229 : vector<16xf32>
    %reduce_sum3A = arith.constant true
    %reduce_sum3A_231 = vector.broadcast %reduce_sum3A : i1 to vector<16xi1>
    %reduce_sum3A_232 = tpu.scan <sum>, %add3A_226 masked %reduce_sum3A_231 : vector<16xf32>, vector<16xi1> -> vector<16xf32>
    %reduce_sum3A_233 = vector.extract %reduce_sum3A_232[15] : f32 from vector<16xf32>
    %reduce_sum3A_234 = arith.constant true
    %reduce_sum3A_235 = vector.broadcast %reduce_sum3A_234 : i1 to vector<16xi1>
    %reduce_sum3A_236 = tpu.scan <sum>, %add3A_230 masked %reduce_sum3A_235 : vector<16xf32>, vector<16xi1> -> vector<16xf32>
    %reduce_sum3A_237 = vector.extract %reduce_sum3A_236[15] : f32 from vector<16xf32>
    %dma_wait3A_238 = arith.constant 0 : i32
    %dma_wait3A_239 = arith.constant 0 : i32
    %dma_wait3A_240 = tpu.memref_slice %arg2[%dma_wait3A_238, %dma_wait3A_239] : memref<50000x256xf32, #tpu.memory_space<hbm>> -> memref<50000x256xf32, #tpu.memory_space<hbm>>
    tpu.wait_indirect_dma semaphore(%arg20 : memref<!tpu.dma_semaphore, #tpu.memory_space<semaphore_mem>>) src(%dma_wait3A_240 : memref<50000x256xf32, #tpu.memory_space<hbm>>) dst(%arg13 : memref<16x256xf32, #tpu.memory_space<vmem>>)
    %broadcast_in_dim3A_241 = arith.constant 0.000000e+00 : f32
    %broadcast_in_dim3A_242 = vector.broadcast %broadcast_in_dim3A_241 : f32 to vector<16xf32>
    %parallel_loop3A_243 = arith.constant 0 : i32
    %parallel_loop3A_244 = arith.constant 16 : i32
    %parallel_loop3A_245 = arith.constant 1 : i32
    %parallel_loop3A_246 = scf.for %parallel_loop3A_256 = %parallel_loop3A_243 to %parallel_loop3A_244 step %parallel_loop3A_245 iter_args(%parallel_loop3A_257 = %broadcast_in_dim3A_242) -> (vector<16xf32>)  : i32 {
      %parallel_loop3A_258 = arith.constant 0.000000e+00 : f32
      %parallel_loop3A_259 = vector.broadcast %parallel_loop3A_258 : f32 to vector<16xf32>
      %parallel_loop3A_260 = arith.index_cast %parallel_loop3A_256 : i32 to index
      %parallel_loop3A_261 = arith.constant 0 : index
      %parallel_loop3A_262 = tpu.vector_load %arg13[%parallel_loop3A_260, %parallel_loop3A_261] {strides = array<i32>} : memref<16x256xf32, #tpu.memory_space<vmem>>, vector<16xf32>,
      %parallel_loop3A_263 = arith.addf %parallel_loop3A_259, %parallel_loop3A_262 : vector<16xf32>
      %parallel_loop3A_264 = arith.mulf %parallel_loop3A_262, %parallel_loop3A_262 : vector<16xf32>
      %parallel_loop3A_265 = arith.addf %parallel_loop3A_259, %parallel_loop3A_264 : vector<16xf32>
      %parallel_loop3A_266 = arith.mulf %parallel_loop3A_262, %mul3A_75 : vector<16xf32>
      %parallel_loop3A_267 = arith.addf %parallel_loop3A_259, %parallel_loop3A_266 : vector<16xf32>
      %parallel_loop3A_268 = arith.index_cast %parallel_loop3A_256 : i32 to index
      %parallel_loop3A_269 = arith.constant 16 : index
      %parallel_loop3A_270 = tpu.vector_load %arg13[%parallel_loop3A_268, %parallel_loop3A_269] {strides = array<i32>} : memref<16x256xf32, #tpu.memory_space<vmem>>, vector<16xf32>,
      %parallel_loop3A_271 = arith.addf %parallel_loop3A_263, %parallel_loop3A_270 : vector<16xf32>
      %parallel_loop3A_272 = arith.mulf %parallel_loop3A_270, %parallel_loop3A_270 : vector<16xf32>
      %parallel_loop3A_273 = arith.addf %parallel_loop3A_265, %parallel_loop3A_272 : vector<16xf32>
      %parallel_loop3A_274 = arith.mulf %parallel_loop3A_270, %mul3A_85 : vector<16xf32>
      %parallel_loop3A_275 = arith.addf %parallel_loop3A_267, %parallel_loop3A_274 : vector<16xf32>
      %parallel_loop3A_276 = arith.index_cast %parallel_loop3A_256 : i32 to index
      %parallel_loop3A_277 = arith.constant 32 : index
      %parallel_loop3A_278 = tpu.vector_load %arg13[%parallel_loop3A_276, %parallel_loop3A_277] {strides = array<i32>} : memref<16x256xf32, #tpu.memory_space<vmem>>, vector<16xf32>,
      %parallel_loop3A_279 = arith.addf %parallel_loop3A_271, %parallel_loop3A_278 : vector<16xf32>
      %parallel_loop3A_280 = arith.mulf %parallel_loop3A_278, %parallel_loop3A_278 : vector<16xf32>
      %parallel_loop3A_281 = arith.addf %parallel_loop3A_273, %parallel_loop3A_280 : vector<16xf32>
      %parallel_loop3A_282 = arith.mulf %parallel_loop3A_278, %mul3A_95 : vector<16xf32>
      %parallel_loop3A_283 = arith.addf %parallel_loop3A_275, %parallel_loop3A_282 : vector<16xf32>
      %parallel_loop3A_284 = arith.index_cast %parallel_loop3A_256 : i32 to index
      %parallel_loop3A_285 = arith.constant 48 : index
      %parallel_loop3A_286 = tpu.vector_load %arg13[%parallel_loop3A_284, %parallel_loop3A_285] {strides = array<i32>} : memref<16x256xf32, #tpu.memory_space<vmem>>, vector<16xf32>,
      %parallel_loop3A_287 = arith.addf %parallel_loop3A_279, %parallel_loop3A_286 : vector<16xf32>
      %parallel_loop3A_288 = arith.mulf %parallel_loop3A_286, %parallel_loop3A_286 : vector<16xf32>
      %parallel_loop3A_289 = arith.addf %parallel_loop3A_281, %parallel_loop3A_288 : vector<16xf32>
      %parallel_loop3A_290 = arith.mulf %parallel_loop3A_286, %mul3A_105 : vector<16xf32>
      %parallel_loop3A_291 = arith.addf %parallel_loop3A_283, %parallel_loop3A_290 : vector<16xf32>
      %parallel_loop3A_292 = arith.index_cast %parallel_loop3A_256 : i32 to index
      %parallel_loop3A_293 = arith.constant 64 : index
      %parallel_loop3A_294 = tpu.vector_load %arg13[%parallel_loop3A_292, %parallel_loop3A_293] {strides = array<i32>} : memref<16x256xf32, #tpu.memory_space<vmem>>, vector<16xf32>,
      %parallel_loop3A_295 = arith.addf %parallel_loop3A_287, %parallel_loop3A_294 : vector<16xf32>
      %parallel_loop3A_296 = arith.mulf %parallel_loop3A_294, %parallel_loop3A_294 : vector<16xf32>
      %parallel_loop3A_297 = arith.addf %parallel_loop3A_289, %parallel_loop3A_296 : vector<16xf32>
      %parallel_loop3A_298 = arith.mulf %parallel_loop3A_294, %mul3A_115 : vector<16xf32>
      %parallel_loop3A_299 = arith.addf %parallel_loop3A_291, %parallel_loop3A_298 : vector<16xf32>
      %parallel_loop3A_300 = arith.index_cast %parallel_loop3A_256 : i32 to index
      %parallel_loop3A_301 = arith.constant 80 : index
      %parallel_loop3A_302 = tpu.vector_load %arg13[%parallel_loop3A_300, %parallel_loop3A_301] {strides = array<i32>} : memref<16x256xf32, #tpu.memory_space<vmem>>, vector<16xf32>,
      %parallel_loop3A_303 = arith.addf %parallel_loop3A_295, %parallel_loop3A_302 : vector<16xf32>
      %parallel_loop3A_304 = arith.mulf %parallel_loop3A_302, %parallel_loop3A_302 : vector<16xf32>
      %parallel_loop3A_305 = arith.addf %parallel_loop3A_297, %parallel_loop3A_304 : vector<16xf32>
      %parallel_loop3A_306 = arith.mulf %parallel_loop3A_302, %mul3A_125 : vector<16xf32>
      %parallel_loop3A_307 = arith.addf %parallel_loop3A_299, %parallel_loop3A_306 : vector<16xf32>
      %parallel_loop3A_308 = arith.index_cast %parallel_loop3A_256 : i32 to index
      %parallel_loop3A_309 = arith.constant 96 : index
      %parallel_loop3A_310 = tpu.vector_load %arg13[%parallel_loop3A_308, %parallel_loop3A_309] {strides = array<i32>} : memref<16x256xf32, #tpu.memory_space<vmem>>, vector<16xf32>,
      %parallel_loop3A_311 = arith.addf %parallel_loop3A_303, %parallel_loop3A_310 : vector<16xf32>
      %parallel_loop3A_312 = arith.mulf %parallel_loop3A_310, %parallel_loop3A_310 : vector<16xf32>
      %parallel_loop3A_313 = arith.addf %parallel_loop3A_305, %parallel_loop3A_312 : vector<16xf32>
      %parallel_loop3A_314 = arith.mulf %parallel_loop3A_310, %mul3A_135 : vector<16xf32>
      %parallel_loop3A_315 = arith.addf %parallel_loop3A_307, %parallel_loop3A_314 : vector<16xf32>
      %parallel_loop3A_316 = arith.index_cast %parallel_loop3A_256 : i32 to index
      %parallel_loop3A_317 = arith.constant 112 : index
      %parallel_loop3A_318 = tpu.vector_load %arg13[%parallel_loop3A_316, %parallel_loop3A_317] {strides = array<i32>} : memref<16x256xf32, #tpu.memory_space<vmem>>, vector<16xf32>,
      %parallel_loop3A_319 = arith.addf %parallel_loop3A_311, %parallel_loop3A_318 : vector<16xf32>
      %parallel_loop3A_320 = arith.mulf %parallel_loop3A_318, %parallel_loop3A_318 : vector<16xf32>
      %parallel_loop3A_321 = arith.addf %parallel_loop3A_313, %parallel_loop3A_320 : vector<16xf32>
      %parallel_loop3A_322 = arith.mulf %parallel_loop3A_318, %mul3A_145 : vector<16xf32>
      %parallel_loop3A_323 = arith.addf %parallel_loop3A_315, %parallel_loop3A_322 : vector<16xf32>
      %parallel_loop3A_324 = arith.index_cast %parallel_loop3A_256 : i32 to index
      %parallel_loop3A_325 = arith.constant 128 : index
      %parallel_loop3A_326 = tpu.vector_load %arg13[%parallel_loop3A_324, %parallel_loop3A_325] {strides = array<i32>} : memref<16x256xf32, #tpu.memory_space<vmem>>, vector<16xf32>,
      %parallel_loop3A_327 = arith.addf %parallel_loop3A_319, %parallel_loop3A_326 : vector<16xf32>
      %parallel_loop3A_328 = arith.mulf %parallel_loop3A_326, %parallel_loop3A_326 : vector<16xf32>
      %parallel_loop3A_329 = arith.addf %parallel_loop3A_321, %parallel_loop3A_328 : vector<16xf32>
      %parallel_loop3A_330 = arith.mulf %parallel_loop3A_326, %mul3A_155 : vector<16xf32>
      %parallel_loop3A_331 = arith.addf %parallel_loop3A_323, %parallel_loop3A_330 : vector<16xf32>
      %parallel_loop3A_332 = arith.index_cast %parallel_loop3A_256 : i32 to index
      %parallel_loop3A_333 = arith.constant 144 : index
      %parallel_loop3A_334 = tpu.vector_load %arg13[%parallel_loop3A_332, %parallel_loop3A_333] {strides = array<i32>} : memref<16x256xf32, #tpu.memory_space<vmem>>, vector<16xf32>,
      %parallel_loop3A_335 = arith.addf %parallel_loop3A_327, %parallel_loop3A_334 : vector<16xf32>
      %parallel_loop3A_336 = arith.mulf %parallel_loop3A_334, %parallel_loop3A_334 : vector<16xf32>
      %parallel_loop3A_337 = arith.addf %parallel_loop3A_329, %parallel_loop3A_336 : vector<16xf32>
      %parallel_loop3A_338 = arith.mulf %parallel_loop3A_334, %mul3A_165 : vector<16xf32>
      %parallel_loop3A_339 = arith.addf %parallel_loop3A_331, %parallel_loop3A_338 : vector<16xf32>
      %parallel_loop3A_340 = arith.index_cast %parallel_loop3A_256 : i32 to index
      %parallel_loop3A_341 = arith.constant 160 : index
      %parallel_loop3A_342 = tpu.vector_load %arg13[%parallel_loop3A_340, %parallel_loop3A_341] {strides = array<i32>} : memref<16x256xf32, #tpu.memory_space<vmem>>, vector<16xf32>,
      %parallel_loop3A_343 = arith.addf %parallel_loop3A_335, %parallel_loop3A_342 : vector<16xf32>
      %parallel_loop3A_344 = arith.mulf %parallel_loop3A_342, %parallel_loop3A_342 : vector<16xf32>
      %parallel_loop3A_345 = arith.addf %parallel_loop3A_337, %parallel_loop3A_344 : vector<16xf32>
      %parallel_loop3A_346 = arith.mulf %parallel_loop3A_342, %mul3A_175 : vector<16xf32>
      %parallel_loop3A_347 = arith.addf %parallel_loop3A_339, %parallel_loop3A_346 : vector<16xf32>
      %parallel_loop3A_348 = arith.index_cast %parallel_loop3A_256 : i32 to index
      %parallel_loop3A_349 = arith.constant 176 : index
      %parallel_loop3A_350 = tpu.vector_load %arg13[%parallel_loop3A_348, %parallel_loop3A_349] {strides = array<i32>} : memref<16x256xf32, #tpu.memory_space<vmem>>, vector<16xf32>,
      %parallel_loop3A_351 = arith.addf %parallel_loop3A_343, %parallel_loop3A_350 : vector<16xf32>
      %parallel_loop3A_352 = arith.mulf %parallel_loop3A_350, %parallel_loop3A_350 : vector<16xf32>
      %parallel_loop3A_353 = arith.addf %parallel_loop3A_345, %parallel_loop3A_352 : vector<16xf32>
      %parallel_loop3A_354 = arith.mulf %parallel_loop3A_350, %mul3A_185 : vector<16xf32>
      %parallel_loop3A_355 = arith.addf %parallel_loop3A_347, %parallel_loop3A_354 : vector<16xf32>
      %parallel_loop3A_356 = arith.index_cast %parallel_loop3A_256 : i32 to index
      %parallel_loop3A_357 = arith.constant 192 : index
      %parallel_loop3A_358 = tpu.vector_load %arg13[%parallel_loop3A_356, %parallel_loop3A_357] {strides = array<i32>} : memref<16x256xf32, #tpu.memory_space<vmem>>, vector<16xf32>,
      %parallel_loop3A_359 = arith.addf %parallel_loop3A_351, %parallel_loop3A_358 : vector<16xf32>
      %parallel_loop3A_360 = arith.mulf %parallel_loop3A_358, %parallel_loop3A_358 : vector<16xf32>
      %parallel_loop3A_361 = arith.addf %parallel_loop3A_353, %parallel_loop3A_360 : vector<16xf32>
      %parallel_loop3A_362 = arith.mulf %parallel_loop3A_358, %mul3A_195 : vector<16xf32>
      %parallel_loop3A_363 = arith.addf %parallel_loop3A_355, %parallel_loop3A_362 : vector<16xf32>
      %parallel_loop3A_364 = arith.index_cast %parallel_loop3A_256 : i32 to index
      %parallel_loop3A_365 = arith.constant 208 : index
      %parallel_loop3A_366 = tpu.vector_load %arg13[%parallel_loop3A_364, %parallel_loop3A_365] {strides = array<i32>} : memref<16x256xf32, #tpu.memory_space<vmem>>, vector<16xf32>,
      %parallel_loop3A_367 = arith.addf %parallel_loop3A_359, %parallel_loop3A_366 : vector<16xf32>
      %parallel_loop3A_368 = arith.mulf %parallel_loop3A_366, %parallel_loop3A_366 : vector<16xf32>
      %parallel_loop3A_369 = arith.addf %parallel_loop3A_361, %parallel_loop3A_368 : vector<16xf32>
      %parallel_loop3A_370 = arith.mulf %parallel_loop3A_366, %mul3A_205 : vector<16xf32>
      %parallel_loop3A_371 = arith.addf %parallel_loop3A_363, %parallel_loop3A_370 : vector<16xf32>
      %parallel_loop3A_372 = arith.index_cast %parallel_loop3A_256 : i32 to index
      %parallel_loop3A_373 = arith.constant 224 : index
      %parallel_loop3A_374 = tpu.vector_load %arg13[%parallel_loop3A_372, %parallel_loop3A_373] {strides = array<i32>} : memref<16x256xf32, #tpu.memory_space<vmem>>, vector<16xf32>,
      %parallel_loop3A_375 = arith.addf %parallel_loop3A_367, %parallel_loop3A_374 : vector<16xf32>
      %parallel_loop3A_376 = arith.mulf %parallel_loop3A_374, %parallel_loop3A_374 : vector<16xf32>
      %parallel_loop3A_377 = arith.addf %parallel_loop3A_369, %parallel_loop3A_376 : vector<16xf32>
      %parallel_loop3A_378 = arith.mulf %parallel_loop3A_374, %mul3A_215 : vector<16xf32>
      %parallel_loop3A_379 = arith.addf %parallel_loop3A_371, %parallel_loop3A_378 : vector<16xf32>
      %parallel_loop3A_380 = arith.index_cast %parallel_loop3A_256 : i32 to index
      %parallel_loop3A_381 = arith.constant 240 : index
      %parallel_loop3A_382 = tpu.vector_load %arg13[%parallel_loop3A_380, %parallel_loop3A_381] {strides = array<i32>} : memref<16x256xf32, #tpu.memory_space<vmem>>, vector<16xf32>,
      %parallel_loop3A_383 = arith.addf %parallel_loop3A_375, %parallel_loop3A_382 : vector<16xf32>
      %parallel_loop3A_384 = arith.mulf %parallel_loop3A_382, %parallel_loop3A_382 : vector<16xf32>
      %parallel_loop3A_385 = arith.addf %parallel_loop3A_377, %parallel_loop3A_384 : vector<16xf32>
      %parallel_loop3A_386 = arith.mulf %parallel_loop3A_382, %mul3A_225 : vector<16xf32>
      %parallel_loop3A_387 = arith.addf %parallel_loop3A_379, %parallel_loop3A_386 : vector<16xf32>
      %parallel_loop3A_388 = arith.constant true
      %parallel_loop3A_389 = vector.broadcast %parallel_loop3A_388 : i1 to vector<16xi1>
      %parallel_loop3A_390 = tpu.scan <sum>, %parallel_loop3A_383 masked %parallel_loop3A_389 : vector<16xf32>, vector<16xi1> -> vector<16xf32>
      %parallel_loop3A_391 = vector.extract %parallel_loop3A_390[15] : f32 from vector<16xf32>
      %parallel_loop3A_392 = arith.constant 3.906250e-03 : f32
      %parallel_loop3A_393 = arith.mulf %parallel_loop3A_391, %parallel_loop3A_392 : f32
      %parallel_loop3A_394 = arith.constant true
      %parallel_loop3A_395 = vector.broadcast %parallel_loop3A_394 : i1 to vector<16xi1>
      %parallel_loop3A_396 = tpu.scan <sum>, %parallel_loop3A_385 masked %parallel_loop3A_395 : vector<16xf32>, vector<16xi1> -> vector<16xf32>
      %parallel_loop3A_397 = vector.extract %parallel_loop3A_396[15] : f32 from vector<16xf32>
      %parallel_loop3A_398 = arith.constant 3.906250e-03 : f32
      %parallel_loop3A_399 = arith.mulf %parallel_loop3A_397, %parallel_loop3A_398 : f32
      %parallel_loop3A_400 = arith.mulf %parallel_loop3A_393, %parallel_loop3A_393 : f32
      %parallel_loop3A_401 = arith.subf %parallel_loop3A_399, %parallel_loop3A_400 : f32
      %parallel_loop3A_402 = arith.constant true
      %parallel_loop3A_403 = vector.broadcast %parallel_loop3A_402 : i1 to vector<16xi1>
      %parallel_loop3A_404 = tpu.scan <sum>, %parallel_loop3A_387 masked %parallel_loop3A_403 : vector<16xf32>, vector<16xi1> -> vector<16xf32>
      %parallel_loop3A_405 = vector.extract %parallel_loop3A_404[15] : f32 from vector<16xf32>
      %parallel_loop3A_406 = arith.constant 9.99999974E-6 : f32
      %parallel_loop3A_407 = arith.addf %parallel_loop3A_401, %parallel_loop3A_406 : f32
      %parallel_loop3A_408 = vector.broadcast %parallel_loop3A_407 : f32 to vector<16xf32>
      %parallel_loop3A_409 = vector.bitcast %parallel_loop3A_408 : vector<16xf32> to vector<16xi32>
      %parallel_loop3A_410 = arith.constant 1 : i32
      %parallel_loop3A_411 = vector.broadcast %parallel_loop3A_410 : i32 to vector<16xi32>
      %parallel_loop3A_412 = arith.shrui %parallel_loop3A_409, %parallel_loop3A_411 : vector<16xi32>
      %parallel_loop3A_413 = arith.constant 1597463007 : i32
      %parallel_loop3A_414 = vector.broadcast %parallel_loop3A_413 : i32 to vector<16xi32>
      %parallel_loop3A_415 = arith.subi %parallel_loop3A_414, %parallel_loop3A_412 : vector<16xi32>
      %parallel_loop3A_416 = vector.bitcast %parallel_loop3A_415 : vector<16xi32> to vector<16xf32>
      %parallel_loop3A_417 = arith.constant 5.000000e-01 : f32
      %parallel_loop3A_418 = vector.broadcast %parallel_loop3A_417 : f32 to vector<16xf32>
      %parallel_loop3A_419 = arith.mulf %parallel_loop3A_408, %parallel_loop3A_418 : vector<16xf32>
      %parallel_loop3A_420 = arith.mulf %parallel_loop3A_419, %parallel_loop3A_416 : vector<16xf32>
      %parallel_loop3A_421 = arith.mulf %parallel_loop3A_420, %parallel_loop3A_416 : vector<16xf32>
      %parallel_loop3A_422 = arith.constant 1.500000e+00 : f32
      %parallel_loop3A_423 = vector.broadcast %parallel_loop3A_422 : f32 to vector<16xf32>
      %parallel_loop3A_424 = arith.subf %parallel_loop3A_423, %parallel_loop3A_421 : vector<16xf32>
      %parallel_loop3A_425 = arith.mulf %parallel_loop3A_416, %parallel_loop3A_424 : vector<16xf32>
      %parallel_loop3A_426 = arith.mulf %parallel_loop3A_419, %parallel_loop3A_425 : vector<16xf32>
      %parallel_loop3A_427 = arith.mulf %parallel_loop3A_426, %parallel_loop3A_425 : vector<16xf32>
      %parallel_loop3A_428 = arith.constant 1.500000e+00 : f32
      %parallel_loop3A_429 = vector.broadcast %parallel_loop3A_428 : f32 to vector<16xf32>
      %parallel_loop3A_430 = arith.subf %parallel_loop3A_429, %parallel_loop3A_427 : vector<16xf32>
      %parallel_loop3A_431 = arith.mulf %parallel_loop3A_425, %parallel_loop3A_430 : vector<16xf32>
      %parallel_loop3A_432 = arith.mulf %parallel_loop3A_419, %parallel_loop3A_431 : vector<16xf32>
      %parallel_loop3A_433 = arith.mulf %parallel_loop3A_432, %parallel_loop3A_431 : vector<16xf32>
      %parallel_loop3A_434 = arith.constant 1.500000e+00 : f32
      %parallel_loop3A_435 = vector.broadcast %parallel_loop3A_434 : f32 to vector<16xf32>
      %parallel_loop3A_436 = arith.subf %parallel_loop3A_435, %parallel_loop3A_433 : vector<16xf32>
      %parallel_loop3A_437 = arith.mulf %parallel_loop3A_431, %parallel_loop3A_436 : vector<16xf32>
      %parallel_loop3A_438 = arith.mulf %parallel_loop3A_393, %reduce_sum3A_233 : f32
      %parallel_loop3A_439 = arith.subf %parallel_loop3A_405, %parallel_loop3A_438 : f32
      %parallel_loop3A_440 = vector.broadcast %parallel_loop3A_439 : f32 to vector<16xf32>
      %parallel_loop3A_441 = arith.mulf %parallel_loop3A_440, %parallel_loop3A_437 : vector<16xf32>
      %parallel_loop3A_442 = vector.broadcast %reduce_sum3A_237 : f32 to vector<16xf32>
      %parallel_loop3A_443 = arith.addf %parallel_loop3A_441, %parallel_loop3A_442 : vector<16xf32>
      %parallel_loop3A_444 = vector.broadcast %parallel_loop3A_256 : i32 to vector<16xi32>
      %parallel_loop3A_445 = arith.cmpi eq, %iota3A, %parallel_loop3A_444 : vector<16xi32>
      %parallel_loop3A_446 = arith.select %parallel_loop3A_445, %parallel_loop3A_443, %parallel_loop3A_257 : vector<16xi1>, vector<16xf32>
      scf.yield %parallel_loop3A_446 : vector<16xf32>
    } {sc.loop_unroll_factor = 2 : i64, sc.parallel_access}
    %jit3A = arith.constant 0.000000e+00 : f32
    %broadcast_in_dim3A_247 = vector.broadcast %jit3A : f32 to vector<16xf32>
    %select_n3A = arith.select %gt3A_55, %parallel_loop3A_246, %broadcast_in_dim3A_247 : vector<16xi1>, vector<16xf32>
    %get3A_248 = arith.constant 0 : index
    %get3A_249 = tpu.vector_load %arg17[%get3A_248] {strides = array<i32>} : memref<16xf32, #tpu.memory_space<vmem>>, vector<16xf32>,
    %slice3A = vector.extract_strided_slice %get3A_249 {offsets = [0], sizes = [1], strides = [1]} : vector<16xf32> to vector<1xf32>
    %squeeze3A = vector.extract %slice3A[0] : f32 from vector<1xf32>
    %add3A_250 = vector.broadcast %squeeze3A : f32 to vector<16xf32>
    %add3A_251 = arith.addf %select_n3A, %add3A_250 : vector<16xf32>
    %swap3A_252 = arith.constant 0 : index
    %swap3A_253 = tpu.vector_load %arg18[%swap3A_252] {strides = array<i32>} : memref<16xf32, #tpu.memory_space<vmem>>, vector<16xf32>,
    tpu.vector_store %arg18[%swap3A_252], %add3A_251 {strides = array<i32>} : memref<16xf32, #tpu.memory_space<vmem>>, vector<16xf32>,
    %mul3A_254 = arith.constant 16 : i32
    %mul3A_255 = arith.muli %add3A, %mul3A_254 : i32
    "tpu.region"() ({
      %run_scoped3A = tpu.sem_alloc : memref<!tpu.dma_semaphore, #tpu.memory_space<semaphore_mem>>
      %dma_start3A_256 = tpu.memref_slice %arg8[%mul3A_255] : memref<512xf32, #tpu.memory_space<hbm>> -> memref<16xf32, #tpu.memory_space<hbm>>
      %dma_start3A_257 = tpu.memref_slice %arg8[%mul3A_255] : memref<512xf32, #tpu.memory_space<hbm>> -> memref<16xf32, #tpu.memory_space<hbm>>
      tpu.enqueue_dma source(%arg18 : memref<16xf32, #tpu.memory_space<vmem>>) target(%dma_start3A_257 : memref<16xf32, #tpu.memory_space<hbm>>) target_semaphore(%run_scoped3A : memref<!tpu.dma_semaphore, #tpu.memory_space<semaphore_mem>>)
      %dma_wait3A_258 = tpu.memref_slice %arg8[%mul3A_255] : memref<512xf32, #tpu.memory_space<hbm>> -> memref<16xf32, #tpu.memory_space<hbm>>
      %dma_wait3A_259 = tpu.memref_slice %arg8[%mul3A_255] : memref<512xf32, #tpu.memory_space<hbm>> -> memref<16xf32, #tpu.memory_space<hbm>>
      tpu.wait_dma2 semaphore(%run_scoped3A : memref<!tpu.dma_semaphore, #tpu.memory_space<semaphore_mem>>) src(%arg18 : memref<16xf32, #tpu.memory_space<vmem>>) dst(%dma_wait3A_259 : memref<16xf32, #tpu.memory_space<hbm>>)
      tpu.yield
    }) : () -> ()
    return
  }
}

</mosaic_0001>

<sc_bundles>
// kernel: _run.3.cloned.1.call-start
scs
__scs_entry_jumppad:
0x0: {  	(pc) =	sbr.rel $0x88, $3  }
0x1: {  	(tag) =	ssettag $0x0;
	lr =	simm.s32 $0x1  }
0x2: {  	[smem:$0x3F9B] =	sst lr;
	_ =	strace $0xD0000000  }
0x3: {  	_ = 	snop  }
0x4: {  	_ = 	snop  }
0x5: {  	_ = 	snop  }
0x6: {  	_ = 	snop  }
0x7: {  	_ = 	snop  }
__scs_overlays_trampoline_lowered:
0x8: {  	[smem:$0x3FAA] =	sst s0  }
0x9: {  	[smem:$0x3FAB] =	sst s1  }
0xa: {  	[smem:$0x3FAC] =	sst s2  }
0xb: {  	[smem:$0x3FAD] =	sst s3  }
0xc: {  	[smem:$0x3FAE] =	sst s4  }
0xd: {  	[smem:$0x3FAF] =	sst s5  }
0xe: {  	[smem:$0x3FB0] =	sst s6  }
0xf: {  	[smem:$0x3FB1] =	sst s7  }
0x10: {  	[smem:$0x3FB2] =	sst s8  }
0x11: {  	[smem:$0x3FB3] =	sst s9;
	s0 =	simm.s32 @!p0 $0x0  }
0x12: {  	s1 =	sld [smem:$0x3F99];
	s0 =	simm.s32 @p0 $0x1  }
0x13: {  	[smem:$0x3FB4] =	sst s0;
	s0 =	simm.s32 @!p1 $0x0  }
0x14: {  	s2 =	sld [smem:$0x3F98];
	s0 =	simm.s32 @p1 $0x1  }
0x15: {  	[smem:$0x3FB5] =	sst s0;
	s0 =	simm.s32 @!p2 $0x0  }
0x16: {  	s3 =	sld [smem:$0x3FDB];
	s0 =	simm.s32 @p2 $0x1  }
0x17: {  	s4 =	simm.s32 $0x1BF5;
	[smem:$0x3FB7] =	sst s0  }
0x18: {  	s0 =	sld [smem:$0x3F9A];
	_ =	swait.ge [sflag:s4], $0x0  }
0x19: {  	s7 =	sld [smem:$0x3F9B]  }
0x1a: {  	s8 =	sadd.s32 $0xFFFFE003, lr  }
0x1b: {  	s9 =	sadd.s32 $0xFFFFFEF7, lr;
	s5 =	simm.s32 $0xFFFFFFFF;
	p2 =	slt.u32 s8, $0xFFFFF086  }
0x1c: {  	p1 =	slt.u32 s9, $0xF7A;
	s5 =	simm.s32 @!p2 $0x0  }
0x1d: {  	s5 =	simm.s32 @p1 $0x1;
	p0 =	seq.s32 s7, s2  }
0x1e: {  	s7 =	smul.u32 @!p0 $0xF7A, s2;
	p2 =	seq.s32 @!p0 s5, $0x0  }
0x1f: {  	s9 =	smul.u32 $0xF7A, s1;
	s8 =	simm.s32 @!p0 $0x1BF5;
	p2 =	por !p2, p0  }
0x20: {  	[sflag:s8] =	ssyncset.s32 @!p0 $0xFFFFF086;
	s6 =	sadd.s32 @!p0 s3, s7;
	s7 =	simm.s32 @!p0 $0x108  }
0x21: {  	s3 =	sadd.s32 s3, s9;
	s6 =	sadd.s32 @!p0 $0x88, s6;
	s7 =	simm.s32 @p2 $0x1082  }
0x22: {  	[simem:s7], [sflag:s8] =	dma.local @!p0 [hbm:s6], $0xF7A  }
0x23: {  	s9 =	sor.u32 $0xD0000000, s2;
	s6 =	simm.s32 $0x108;
	_ =	swait.ge @!p0 [sflag:s8], $0x0  }
0x24: {  	s3 =	sadd.s32 $0x88, s3;
	s6 =	simm.s32 @!p1 $0x1082;
	[sflag:s4] =	ssyncset.s32 $0xFFFFF086  }
0x25: {  	[simem:s6], [sflag:s4] =	dma.local [hbm:s3], $0xF7A  }
0x26: {  	[smem:$0x3F9B] =	sst s1;
	(tag) =	ssettag s2;
	_ =	strace s9  }
0x27: {  	s1 =	sld [smem:$0x3FAB]  }
0x28: {  	s2 =	sld [smem:$0x3FAC]  }
0x29: {  	s4 =	sld [smem:$0x3FAE]  }
0x2a: {  	p0 =	seq.s32 s5, $0x0;
	s5 =	sld [smem:$0x3FAF]  }
0x2b: {  	s6 =	sld [smem:$0x3FB0]  }
0x2c: {  	s7 =	sld [smem:$0x3FB1]  }
0x2d: {  	s3 =	simm.s32 $0x108;
	s8 =	sld [smem:$0x3FB2]  }
0x2e: {  	s3 =	simm.s32 @!p0 $0x1082;
	s9 =	sld [smem:$0x3FB3]  }
0x2f: {  	lr =	sadd.s32 s0, s3;
	s0 =	sld [smem:$0x3FAA]  }
0x30: {  	s3 =	sld [smem:$0x3FAD]  }
0x31: {  	[smem:$0x3FB6] =	sst s10  }
0x32: {  	s10 =	sld [smem:$0x3FB4];
	_ =	sdelay $0x3  }
0x33: {  	p0 =	seq.s32 s10, $0x1;
	s10 =	sld [smem:$0x3FB6];
	_ =	sdelay $0x3  }
0x34: {  	[smem:$0x3FB6] =	sst s10  }
0x35: {  	s10 =	sld [smem:$0x3FB5];
	_ =	sdelay $0x3  }
0x36: {  	p1 =	seq.s32 s10, $0x1;
	s10 =	sld [smem:$0x3FB6];
	_ =	sdelay $0x3  }
0x37: {  	[smem:$0x3FB6] =	sst s10  }
0x38: {  	s10 =	sld [smem:$0x3FB7]  }
0x39: {  	_ = 	snop;
	(pc) =	sbr.ind lr, $3  }
0x3a: {  	_ = 	snop  }
0x3b: {  	_ = 	snop  }
0x3c: {  	p2 =	seq.s32 s10, $0x1;
	s10 =	sld [smem:$0x3FB6]  }
0x3d: {  	_ =	shalt  }
0x3e: {  	_ =	shalt  }
0x3f: {  	_ =	shalt  }
0x40: {  	_ =	shalt  }
0x41: {  	_ =	shalt  }
0x42: {  	_ =	shalt  }
0x43: {  	_ =	shalt  }
0x44: {  	_ =	shalt  }
0x45: {  	_ =	shalt  }
0x46: {  	_ =	shalt  }
0x47: {  	_ =	shalt  }
0x48: {  	_ =	shalt  }
0x49: {  	_ =	shalt  }
0x4a: {  	_ =	shalt  }
0x4b: {  	_ =	shalt  }
0x4c: {  	_ =	shalt  }
0x4d: {  	_ =	shalt  }
0x4e: {  	_ =	shalt  }
0x4f: {  	_ =	shalt  }
0x50: {  	_ =	shalt  }
0x51: {  	_ =	shalt  }
0x52: {  	_ =	shalt  }
0x53: {  	_ =	shalt  }
0x54: {  	_ =	shalt  }
0x55: {  	_ =	shalt  }
0x56: {  	_ =	shalt  }
0x57: {  	_ =	shalt  }
0x58: {  	_ =	shalt  }
0x59: {  	_ =	shalt  }
0x5a: {  	_ =	shalt  }
0x5b: {  	_ =	shalt  }
0x5c: {  	_ =	shalt  }
0x5d: {  	_ =	shalt  }
0x5e: {  	_ =	shalt  }
0x5f: {  	_ =	shalt  }
0x60: {  	_ =	shalt  }
0x61: {  	_ =	shalt  }
0x62: {  	_ =	shalt  }
0x63: {  	_ =	shalt  }
0x64: {  	_ =	shalt  }
0x65: {  	_ =	shalt  }
0x66: {  	_ =	shalt  }
0x67: {  	_ =	shalt  }
0x68: {  	_ =	shalt  }
0x69: {  	_ =	shalt  }
0x6a: {  	_ =	shalt  }
0x6b: {  	_ =	shalt  }
0x6c: {  	_ =	shalt  }
0x6d: {  	_ =	shalt  }
0x6e: {  	_ =	shalt  }
0x6f: {  	_ =	shalt  }
0x70: {  	_ =	shalt  }
0x71: {  	_ =	shalt  }
0x72: {  	_ =	shalt  }
0x73: {  	_ =	shalt  }
0x74: {  	_ =	shalt  }
0x75: {  	_ =	shalt  }
0x76: {  	_ =	shalt  }
0x77: {  	_ =	shalt  }
0x78: {  	_ =	shalt  }
0x79: {  	_ =	shalt  }
0x7a: {  	_ =	shalt  }
0x7b: {  	_ =	shalt  }
0x7c: {  	_ =	shalt  }
0x7d: {  	_ =	shalt  }
0x7e: {  	_ =	shalt  }
0x7f: {  	_ =	shalt  }
0x80: {  	_ =	shalt  }
0x81: {  	_ =	shalt  }
0x82: {  	_ =	shalt  }
0x83: {  	_ =	shalt  }
0x84: {  	_ =	shalt  }
0x85: {  	_ =	shalt  }
0x86: {  	_ =	shalt  }
0x87: {  	_ =	shalt  }
.Lfunc_end0:
.L_simem_size_0:
called_computation_lowered:
.L_overlay_start_0:
0x88: {  	s2 =	sld [smem:$0x3FD9]  }
0x89: {  	s3 =	sld [smem:$0x3FFE];
	_ =	sdelay $0x1  }
0x8a: {  	s1 =	srdreg.scid  }
0x8b: {  	s0 =	sand.u32 $0x1, s1  }
0x8c: {  	s18 =	sshll.u32 s0, $0xA;
	s2 =	sadd.s32 s3, s2  }
0x8d: {  	s2 =	sadd.s32 s2, s18  }
0x8e: {  	[smem:$0x3FC2] =	sst s2  }
0x8f: {  	_ = 	snop  }
0x90: {  	s2 =	sld [smem:$0x3FC9]  }
0x91: {  	s19 =	sld [smem:$0x3FC8]  }
0x92: {  	s4 =	sld [smem:$0x3FC7]  }
0x93: {  	s5 =	sld [smem:$0x3FC6]  }
0x94: {  	s6 =	sld [smem:$0x3FC5]  }
0x95: {  	s7 =	sld [smem:$0x3FC4]  }
0x96: {  	s8 =	sld [smem:$0x3FD0];
	(tm) =	ssettm $0x1  }
0x97: {  	s9 =	sld [smem:$0x3FFB];
	_ =	sdelay $0x3  }
0x98: {  	_ =	strace s9  }
0x99: {  	s9 =	sld [smem:$0x3FFC];
	_ =	sdelay $0x3  }
0x9a: {  	_ =	strace s9  }
0x9b: {  	s9 =	sld [smem:$0x3FFD];
	_ =	sdelay $0x3  }
0x9c: {  	_ =	strace s9  }
0x9d: {  	_ =	strace $0x8FFFFFFF  }
0x9e: {  	s20 =	sld [smem:$0x3FDB];
	_ =	sdelay $0x1  }
0x9f: {  	s10 =	simm.s32 $_scs_section_size  }
0xa0: {  	s11 =	simm.s32 $_size__tile_overlayer_lowered;
	s12 =	simm.s32 $_tile_overlayer_lowered  }
0xa1: {  	s23 =	simm.s32 $0x1BFF;
	s22 =	sshll.u32 s12, $0x1;
	s9 =	sadd.s32 s10, s20  }
0xa2: {  	s13 =	simm.s32 $0x0;
	s21 =	sshll.u32 s11, $0x1;
	s11 =	sadd.s32 s22, s9  }
0xa3: {  	[timem:s13], [sflag:s23] =	dma.local [hbm:s11], s21  }
0xa4: {  	_ =	swait.ge [sflag:s23], s21  }
0xa5: {  	s10 =	ssub.s32 $0x0, s21;
	[sflag:s23] =	ssyncset.done $0x0  }
0xa6: {  	[sflag:s23] =	ssyncadd.s32 s10;
	_ =	sdelay $0x1  }
0xa7: {  	s24 =	simm.s32 $0x1B8B  }
0xa8: {  	_ =	swait.ge [sflag:s24], $0x1  }
0xa9: {  	[sflag:s24] =	ssyncset.done $0x0  }
0xaa: {  	s25 =	simm.s32 $0x1B8E;
	[sflag:s24] =	ssyncadd.s32 $0xFFFFFFFF  }
0xab: {  	s26 =	simm.s32 $execute0_lowered;
	[smem:$0x3FD2] =	sst s25  }
0xac: {  	s10 =	sshll.u32 s26, $0x1;
	_ =	strace $0x80000046;
	[dreg:$0x1] =	wrdreg $0xFFFFFFFF  }
0xad: {  	s28 =	simm.s32 $_size_execute0_lowered;
	s9 =	sadd.s32 s9, s10;
	[dreg:$0x0] =	wrdreg $0x0  }
0xae: {  	s10 =	sshll.u32 s28, $0x1;
	[dreg:$0x2] =	wrdreg s9  }
0xaf: {  	[dreg:$0x3] =	wrdreg s10  }
0xb0: {  	[dreg:$0x4] =	wrdreg $0xC0  }
0xb1: {  	_ =	task [dreg:s13], $0x5FFFF  }
0xb2: {  	[dreg:$0x1] =	wrdreg $0xFFFFFFFF  }
0xb3: {  	[dreg:$0x0] =	wrdreg $0x60  }
0xb4: {  	[dreg:$0x2] =	wrdreg s2  }
0xb5: {  	[dreg:$0x3] =	wrdreg s19  }
0xb6: {  	[dreg:$0x4] =	wrdreg s4  }
0xb7: {  	[dreg:$0x5] =	wrdreg s5  }
0xb8: {  	[dreg:$0x6] =	wrdreg s6  }
0xb9: {  	[dreg:$0x7] =	wrdreg s7  }
0xba: {  	[dreg:$0x8] =	wrdreg s8  }
0xbb: {  	[dreg:$0x9] =	wrdreg $0x29800  }
0xbc: {  	[dreg:$0xa] =	wrdreg $0x9  }
0xbd: {  	_ =	task.clear_ibuf [dreg:s13], $0xBFFFF;
	_ =	strace $0x90000046  }
0xbe: {  	s29 =	simm.s32 $0x9;
	_ =	strace $0x80000048  }
0xbf: {  	_ =	swait.ge [sflag:s29], $0x1  }
0xc0: {  	[sflag:s29] =	ssyncadd.s32 $0xFFFFFFFF  }
0xc1: {  	_ =	strace $0x90000048  }
0xc2: {  	_ =	sfence  }
0xc3: {  	s30 =	sld [smem:$0x0];
	_ =	sdelay $0x2  }
0xc4: {  	s31 =	sshll.u32 s1, $0xD;
	s1 =	sshrl.u32 s1, $0x2  }
0xc5: {  	s3 =	sand.u32 $0x4000, s31;
	s1 =	sadd.s32 s1, s30  }
0xc6: {  	s0 =	sor.u32 s3, s0;
	s1 =	sshll.u32 s1, $0x11  }
0xc7: {  	s0 =	sor.u32 s1, s0  }
0xc8: {  	s0 =	sadd.s32 $0x8F2B, s0  }
0xc9: {  	[sflag:s0] =	ssyncadd.remote.s32 $0x1  }
0xca: {  	_ =	sfence.sel $0xFFFF  }
0xcb: {  	[dreg:$0x0] =	wrdreg $0xFFFFFFFF;
	(pc) =	sbr.abs _section_cstart, $3  }
0xcc: {  	[dreg:$0x1] =	wrdreg $0xFFFFFFFF  }
0xcd: {  	_ =	task.clear_ibuf [dreg:s13], $0x2FFFF;
	_ =	strace $0x9FFFFFFF  }
0xce: {  	(tm) =	ssettm $0x7FFFFFFF  }
0xcf: {  	_ =	shalt  }
tec
execute0_lowered:
.L_overlay_start_1:
0x0: {  	(tag) =	ssettag $0x1  }
0x1: {  	s0 =	rddreg [dreg:$0x0]  }
0x2: {  	s1 =	rddreg [dreg:$0x1]  }
0x3: {  	s2 =	rddreg [dreg:$0x6]  }
0x4: {  	s6 =	rddreg [dreg:$0x7];
	s7 =	simm.s32 $0x0  }
0x5: {  	s3 =	srdreg.scid;
	s4 =	stileid.u32;
	s20 =	simm.s32 $0x1  }
0x6: {  	s21 =	simm.s32 $0xC80;
	s22 =	simm.s32 $0x3;
	s26 =	simm.s32 $0x2  }
0x7: {  	s28 =	simm.s32 $0x2900;
	s29 =	simm.s32 $0x0;
	[smem:$0x7FF] =	sst s7  }
0x8: {  	s3 =	sand.u32 $0x1, s3;
	s5 =	smul.u32 $0xC40, s4;
	s12 =	sshll.u32 s4, $0x4  }
0x9: {  	p1 =	seq.s32 s4, $0xF;
	p0 =	sne.s32 s4, $0x0;
	_ =	strace $0x80000047  }
0xa: {  	s8 =	ssub.s32 $0x2, s3;
	s3 =	sshll.u32 s3, $0x4;
	s12 =	sand.u32 $0x10, s12  }
0xb: {  	v46 =	vlaneseq.u32;
	s9 =	sshrl.u32 s8, $0x1;
	s10 =	sshrl.u32 s5, $0x3;
	s3 =	sor.u32 s4, s3  }
0xc: {  	v1 =	vshrl.u32 v46, $0x3;
	s31 =	sadd.s32 $0xFFFFFFF0, s5;
	s14 =	sadd.s32 $0x70, s5;
	s15 =	sadd.s32 $0xC00, s5  }
0xd: {  	v3 =	vand.u32 $0x7, v46;
	v1 =	vmul.u32 $0x8, v1;
	s13 =	ssub.s32 s8, s9;
	s8 =	sadd.s32 s1, s10;
	s11 =	sshll.u32 s3, $0x6  }
0xe: {  	[tilespmem:$0x1FFD0] =	vst v3;
	s9 =	sadd.s32 $0x16F8, s1;
	s10 =	sshrl.u32 s31, $0x3;
	s11 =	sand.u32 $0x780, s11  }
0xf: {  	s3 =	sshll.u32 s3, $0x1;
	[tilespmem:$0x1FFE0] =	vst v1;
	v1 =	vor.u32 $0x8, v46;
	s10 =	sadd.s32 s1, s10;
	s11 =	sadd.s32 s11, s6  }
0x10: {  	v0 =	vimm.s32 $0x0;
	vm0 =	vmmov $0xffff;
	v2 =	vadd.s32 $0x1, v46;
	s13 =	smax.u32 s13, $0x1;
	[tilespmem:$0x1FFF0] =	vst v1;
	s11 =	sadd.s32 s12, s11;
	s12 =	sadd.s32 s2, s3  }
.LBB2_1:
0x11: {  	s1 =	simm.s32 @p1 $0x0;
	s2 =	simm.s32 @p1 $0x10  }
0x12: {  	[tilespmem:s2], [sflag:$0x1] =	stream.linear.gather @p1 [hbm4b:s9+s1], $0xB90, $0x38;
	[tilespmem:$0x2A00] =	vst v63  }
0x13: {  	s1 =	simm.s32 @!p1 $0x0;
	s2 =	simm.s32 @!p1 $0x10  }
0x14: {  	[tilespmem:s2], [sflag:$0x1] =	stream.linear.gather @!p1 [hbm4b:s8+s1], $0xC40, $0x38;
	[tilespmem:$0x2A00] =	vst v63  }
0x15: {  	s17 =	rddreg [dreg:$0x2];
	s18 =	simm.s32 $0x2580  }
0x16: {  	[tilespmem:s18], [sflag:$0x2] =	stream.linear.gather [hbm4b:s17+s7], $0x100, $0x38;
	[tilespmem:$0x2A00] =	vst v63  }
0x17: {  	s19 =	rddreg [dreg:$0x3];
	s23 =	simm.s32 $0x2680  }
0x18: {  	[tilespmem:s23], [sflag:$0x2] =	stream.linear.gather [hbm4b:s19+s7], $0x100, $0x38;
	[tilespmem:$0x2A00] =	vst v63  }
0x19: {  	s24 =	rddreg [dreg:$0x4];
	s25 =	simm.s32 $0x2780  }
0x1a: {  	[tilespmem:s25], [sflag:$0x2] =	stream.linear.gather [hbm4b:s24+s7], $0x100, $0x38;
	[tilespmem:$0x2A00] =	vst v63  }
0x1b: {  	s30 =	rddreg [dreg:$0x5];
	s31 =	simm.s32 $0x2880  }
0x1c: {  	[tilespmem:s31], [sflag:$0x2] =	stream.linear.gather [hbm4b:s30+s7], $0x1, $0x38;
	[tilespmem:$0x2A00] =	vst v63  }
0x1d: {  	s1 =	simm.s32 @p0 $0x0  }
0x1e: {  	v1 =	vimm.s32 @!p0 $0xFFFFFFFF;
	[tilespmem:s1], [sflag:$0x1] =	stream.linear.gather @p0 [hbm4b:s10+s1], $0x10, $0x38;
	[tilespmem:$0x2A00] =	vst v63  }
0x1f: {  	s1 =	simm.s32 $0xD00;
	[tilespmem:$0x0] =	vst @!p0 v1  }
0x20: {  	[tilespmem:s1+$0xFFFFFF80] =	vst v0  }
0x21: {  	[tilespmem:s1+$0x70] =	vst v0  }
0x22: {  	[tilespmem:s1+$0x60] =	vst v0  }
0x23: {  	[tilespmem:s1+$0x50] =	vst v0  }
0x24: {  	[tilespmem:s1+$0x40] =	vst v0  }
0x25: {  	[tilespmem:s1+$0x30] =	vst v0  }
0x26: {  	[tilespmem:s1+$0x20] =	vst v0  }
0x27: {  	[tilespmem:s1+$0x10] =	vst v0  }
0x28: {  	[tilespmem:s1+$0x0] =	vst v0  }
0x29: {  	[tilespmem:s1+$0xFFFFFFF0] =	vst v0  }
0x2a: {  	[tilespmem:s1+$0xFFFFFFE0] =	vst v0  }
0x2b: {  	[tilespmem:s1+$0xFFFFFFD0] =	vst v0  }
0x2c: {  	[tilespmem:s1+$0xFFFFFFC0] =	vst v0  }
0x2d: {  	[tilespmem:s1+$0xFFFFFFB0] =	vst v0  }
0x2e: {  	s2 =	simm.s32 $0x0;
	[tilespmem:s1+$0xFFFFFFA0] =	vst v0  }
.LBB2_2:
0x2f: {  	s2 =	sadd.s32 $0x2, s2;
	[tilespmem:s1+$0xFFFFFF90] =	vst v0;
	s1 =	sadd.s32 $0x100, s1  }
0x30: {  	[tilespmem:s1+$0xFFFFFF80] =	vst v0;
	p2 =	slt.u32 s2, $0xE  }
0x31: {  	[tilespmem:s1+$0x70] =	vst v0  }
0x32: {  	[tilespmem:s1+$0x60] =	vst v0  }
0x33: {  	[tilespmem:s1+$0x50] =	vst v0  }
0x34: {  	[tilespmem:s1+$0x40] =	vst v0  }
0x35: {  	[tilespmem:s1+$0x30] =	vst v0  }
0x36: {  	[tilespmem:s1+$0x20] =	vst v0  }
0x37: {  	[tilespmem:s1+$0x10] =	vst v0  }
0x38: {  	[tilespmem:s1+$0x0] =	vst v0  }
0x39: {  	[tilespmem:s1+$0xFFFFFFF0] =	vst v0  }
.Ltmp0:
0x3a: {  	[tilespmem:s1+$0xFFFFFFE0] =	vst v0;
	(pc) =	sbr.rel @p2 .LBB2_2-.Ltmp0, $4  }
0x3b: {  	[tilespmem:s1+$0xFFFFFFD0] =	vst v0  }
0x3c: {  	[tilespmem:s1+$0xFFFFFFC0] =	vst v0  }
0x3d: {  	[tilespmem:s1+$0xFFFFFFB0] =	vst v0  }
0x3e: {  	[tilespmem:s1+$0xFFFFFFA0] =	vst v0  }
.Ltmp1:
0x3f: {  	(pc) =	sbr.rel @p1 .LBB2_6-.Ltmp1, $2  }
0x40: {  	_ =	sdelay $0x2  }
0x41: {  	[tilespmem:s1+$0xFFFFFF90] =	vst v0  }
.Ltmp2:
0x42: {  	(pc) =	sbr.rel @p0 .LBB2_7-.Ltmp2, $1  }
0x43: {  	_ =	sdelay $0x3  }
0x44: {  	[spmem:s6] =	stream.linear.scatter [tilespmem:s21], [sflag:$0x3], $0x800, $0x38;
	[tilespmem:$0x2A00] =	vst v63  }
0x45: {  	_ =	swait.ge [sflag:s22], $0x800  }
.Ltmp3:
0x46: {  	[sflag:s22] =	ssyncset.done $0x0;
	(pc) =	sbr.rel .LBB2_9-.Ltmp3, $4  }
0x47: {  	[sflag:s22] =	ssyncadd.s32 $0xFFFFF800  }
0x48: {  	_ =	swait.ge [sflag:s20], $0xC40  }
0x49: {  	[sflag:s20] =	ssyncset.done $0x0  }
0x4a: {  	[sflag:s20] =	ssyncadd.s32 $0xFFFFF3C0  }
.LBB2_6:
.Ltmp4:
0x4b: {  	(pc) =	sbr.rel .LBB2_8-.Ltmp4, $4  }
0x4c: {  	_ = 	snop  }
0x4d: {  	_ =	swait.ge [sflag:s20], $0xB90  }
0x4e: {  	[sflag:s20] =	ssyncset.done $0x0  }
0x4f: {  	[sflag:s20] =	ssyncadd.s32 $0xFFFFF470  }
.LBB2_7:
0x50: {  	_ =	swait.ge [sflag:s20], $0xC40  }
0x51: {  	[sflag:s20] =	ssyncset.done $0x0  }
0x52: {  	[sflag:s20] =	ssyncadd.s32 $0xFFFFF3C0  }
.LBB2_8:
0x53: {  	_ =	swait.ge [sflag:s20], $0x10  }
0x54: {  	[sflag:s20] =	ssyncset.done $0x0  }
0x55: {  	[sflag:s20] =	ssyncadd.s32 $0xFFFFFFF0  }
.LBB2_9:
0x56: {  	s1 =	simm.s32 $0x40  }
0x57: {  	v1 =	vld [tilespmem:s1+$0x40]  }
0x58: {  	v3 =	vld [tilespmem:s1+$0xFFFFFFE0]  }
0x59: {  	v4 =	vld [tilespmem:s1+$0xFFFFFFF0]  }
0x5a: {  	v6 =	vld [tilespmem:s1+$0x0]  }
0x5b: {  	v15 =	vld [tilespmem:s1+$0x10]  }
0x5c: {  	v16 =	vld [tilespmem:s1+$0x20]  }
0x5d: {  	v8 =	vmov s14;
	v30 =	vld [tilespmem:s1+$0xFFFFFFFF]  }
0x5e: {  	v18 =	vadd.s32 s14, v2;
	s17 =	sadd.s32 $0xFFFFFF90, s14;
	s2 =	sadd.s32 $0xFFFFFFA0, s14;
	s3 =	sadd.s32 $0xFFFFFFB0, s14;
	vm4 =	vlt.u32 v8, $0xC350;
	v34 =	vld [tilespmem:s1+$0xF]  }
0x5f: {  	s16 =	sadd.s32 $0xFFFFFFC0, s14;
	s4 =	sadd.s32 $0xFFFFFFD0, s14;
	s5 =	sadd.s32 $0xFFFFFFE0, s14;
	v27 =	vmov s17;
	v28 =	vmov s2;
	v31 =	vmov s3;
	v37 =	vld [tilespmem:s1+$0x1F]  }
0x60: {  	v5 =	vld [tilespmem:s1+$0x3F];
	v32 =	vmov s16;
	v33 =	vmov s4;
	v36 =	vmov s5  }
0x61: {  	vm6 =	vlt.u32 v28, $0xC350;
	vm13 =	vlt.u32 v31, $0xC350;
	vm14 =	vlt.u32 v32, $0xC350  }
0x62: {  	vm15 =	vlt.u32 v33, $0xC350;
	vm12 =	vlt.u32 v36, $0xC350;
	vm1 =	vgt.s32 v1, $0x0  }
0x63: {  	v17 =	vld [tilespmem:s1+$0x30];
	vm2 =	vgt.s32 v3, $0x0;
	vm3 =	vgt.s32 v4, $0x0;
	vm5 =	vgt.s32 v15, $0x0  }
0x64: {  	v9 =	vld [tilespmem:s1+$0xFFFFFFD0];
	vm11 =	vne.s32 v6, v30;
	vm10 =	vne.s32 v15, v34;
	vm9 =	vne.s32 v16, v37  }
0x65: {  	v7 =	vnsel vm1, $0x0, v1;
	vm1 =	vne.s32 v1, v5;
	v10 =	vnsel vm5, $0x0, v15  }
0x66: {  	vm5 =	vlt.u32 v27, $0xC350;
	v7 =	vmin.u32 v7, $0x1FF;
	vm1 =	vmand vm4, vm1  }
0x67: {  	vm4 =	vgt.s32 v6, $0x0;
	v21 =	vmin.u32 v10, $0x1FF;
	v1 =	vshll.u32 v7, $0x2  }
0x68: {  	v5 =	vand.u32 $0x1F, v7;
	v7 =	vnsel vm3, $0x0, v4;
	v8 =	vnsel vm4, $0x0, v6  }
0x69: {  	vm3 =	vgt.s32 v17, $0x0;
	vm4 =	vgt.s32 v9, $0x0;
	v25 =	vshll.u32 v21, $0x2  }
0x6a: {  	v14 =	vld [tilespmem:s1+$0xFFFFFFCF];
	v1 =	vand.u32 $0x780, v1;
	v12 =	vnsel vm3, $0x0, v17;
	v13 =	vnsel vm4, $0x0, v9  }
0x6b: {  	v19 =	vmin.u32 v7, $0x1FF;
	v20 =	vmin.u32 v8, $0x1FF;
	v1 =	vor.u32 v5, v1  }
0x6c: {  	v5 =	vnsel vm2, $0x0, v3;
	vm2 =	vgt.s32 v16, $0x0;
	v13 =	vmin.u32 v13, $0x1FF  }
0x6d: {  	v8 =	vld [tilespmem:s1+$0xFFFFFFEF];
	v22 =	vmin.u32 v12, $0x1FF;
	v23 =	vshll.u32 v19, $0x2;
	v24 =	vshll.u32 v20, $0x2  }
0x6e: {  	v19 =	vand.u32 $0x1F, v19;
	v11 =	vnsel vm2, $0x0, v16;
	v5 =	vmin.u32 v5, $0x1FF  }
0x6f: {  	v10 =	vshll.u32 v13, $0x2;
	v29 =	vshll.u32 v22, $0x2;
	vm2 =	vne.s32 v9, v14  }
0x70: {  	v7 =	vld [tilespmem:s1+$0xFFFFFFDF];
	v23 =	vand.u32 $0x780, v23;
	v9 =	vand.u32 $0x780, v24;
	v63 =	vand.u32 $0x1F, v13  }
0x71: {  	v14 =	vand.u32 $0x1F, v20;
	v13 =	vand.u32 $0x1F, v21;
	v11 =	vmin.u32 v11, $0x1FF  }
0x72: {  	v12 =	vshll.u32 v5, $0x2;
	v35 =	vand.u32 $0x780, v10;
	vm4 =	vne.s32 v4, v8;
	v4 =	vld [tilespmem:s1+$0x2F]  }
0x73: {  	v10 =	vand.u32 $0x780, v25;
	v5 =	vand.u32 $0x1F, v5;
	v26 =	vshll.u32 v11, $0x2  }
0x74: {  	s18 =	sadd.s32 $0xFFFFFFF0, s14;
	v38 =	vand.u32 $0x780, v12;
	v12 =	vand.u32 $0x1F, v11;
	v11 =	vand.u32 $0x1F, v22  }
0x75: {  	v6 =	vor.u32 v63, v35;
	vm3 =	vne.s32 v3, v7;
	v3 =	vmov s18  }
0x76: {  	s19 =	simm.s32 $0x0;
	v8 =	vand.u32 $0x780, v26;
	v7 =	vand.u32 $0x780, v29;
	v5 =	vor.u32 v5, v38  }
0x77: {  	s23 =	simm.s32 $0xC0;
	s30 =	smov.u32 s14;
	s1 =	simm.s32 $0xC10;
	[tilespmem:v1+s21+$0x0] =	vst.idx.add.s32.msk vm1, v18;
	vm1 =	vlt.u32 v3, $0xC350;
	v1 =	vor.u32 v19, v23;
	vm8 =	vne.s32 v17, v4  }
.LBB2_10:
0x78: {  	v15 =	vld [tilespmem:s23+$0x40];
	s19 =	sadd.s32 $0x8, s19;
	v9 =	vor.u32 v14, v9;
	v10 =	vor.u32 v13, v10;
	v8 =	vor.u32 v12, v8  }
0x79: {  	vm7 =	vmand vm5, vm2;
	vm6 =	vmand vm6, vm3;
	v11 =	vor.u32 v11, v7;
	v3 =	vld [tilespmem:s23+$0xFFFFFFE0];
	p2 =	slt.u32 s19, $0xB8  }
0x7a: {  	vm5 =	vmand vm13, vm4;
	vm4 =	vmand vm14, vm11;
	vm3 =	vmand vm15, vm10;
	v4 =	vld [tilespmem:s23+$0xFFFFFFF0]  }
0x7b: {  	v12 =	vor.u32 s17, v2;
	vm2 =	vmand vm12, vm9;
	vm1 =	vmand vm1, vm8;
	v7 =	vld [tilespmem:s23+$0x3F]  }
0x7c: {  	v13 =	vadd.s32 s2, v2;
	v14 =	vor.u32 s3, v2;
	v17 =	vadd.s32 s16, v2;
	v16 =	vld [tilespmem:s23+$0x0]  }
0x7d: {  	v19 =	vor.u32 s4, v2;
	v20 =	vadd.s32 s5, v2;
	v18 =	vld [tilespmem:s23+$0x10];
	vm9 =	vgt.s32 v15, $0x0  }
0x7e: {  	v23 =	vor.u32 s18, v2;
	s30 =	sadd.s32 $0x80, s30;
	vm8 =	vgt.s32 v3, $0x0;
	v21 =	vld [tilespmem:s23+$0x20];
	v22 =	vnsel vm9, $0x0, v15  }
0x7f: {  	s17 =	sadd.s32 $0xFFFFFF90, s30;
	s2 =	sadd.s32 $0xFFFFFFA0, s30;
	s3 =	sadd.s32 $0xFFFFFFB0, s30;
	v25 =	vmov s30;
	vm9 =	vgt.s32 v4, $0x0;
	v24 =	vld [tilespmem:s23+$0x30];
	v22 =	vmin.u32 v22, $0x1FF  }
0x80: {  	s16 =	sadd.s32 $0xFFFFFFC0, s30;
	s4 =	sadd.s32 $0xFFFFFFD0, s30;
	s5 =	sadd.s32 $0xFFFFFFE0, s30;
	vm11 =	vlt.u32 v25, $0xC350;
	v26 =	vld [tilespmem:s23+$0xFFFFFFD0];
	vm10 =	vne.s32 v15, v7;
	v7 =	vshll.u32 v22, $0x2  }
0x81: {  	s18 =	sadd.s32 $0xFFFFFFF0, s30;
	v22 =	vand.u32 $0x1F, v22;
	v15 =	vld [tilespmem:s23+$0xFFFFFFCF];
	vm10 =	vmand vm11, vm10;
	v7 =	vand.u32 $0x780, v7  }
0x82: {  	vm11 =	vgt.s32 v16, $0x0;
	v25 =	vld [tilespmem:s23+$0xFFFFFFDF];
	vm12 =	vgt.s32 v18, $0x0;
	v7 =	vor.u32 v22, v7  }
0x83: {  	v28 =	vnsel vm9, $0x0, v4;
	v22 =	vnsel vm8, $0x0, v3;
	v27 =	vld [tilespmem:s23+$0xFFFFFFEF];
	vm8 =	vgt.s32 v21, $0x0  }
0x84: {  	v30 =	vnsel vm11, $0x0, v16;
	v31 =	vnsel vm12, $0x0, v18;
	v29 =	vld [tilespmem:s23+$0xFFFFFFFF];
	vm9 =	vgt.s32 v24, $0x0  }
0x85: {  	v33 =	vnsel vm8, $0x0, v21;
	vm11 =	vgt.s32 v26, $0x0;
	v32 =	vld [tilespmem:s23+$0xF];
	v34 =	vnsel vm9, $0x0, v24  }
0x86: {  	v37 =	vadd.s32 s30, v2;
	v22 =	vmin.u32 v22, $0x1FF;
	v35 =	vnsel vm11, $0x0, v26;
	v36 =	vld [tilespmem:s23+$0x1F]  }
0x87: {  	s24 =	simm.s32 $0x0;
	v28 =	vmin.u32 v28, $0x1FF;
	v30 =	vmin.u32 v30, $0x1FF;
	v35 =	vmin.u32 v35, $0x1FF;
	[tilespmem:v7+s21+$0x0] =	vst.idx.add.s32.msk vm10, v37  }
0x88: {  	v31 =	vmin.u32 v31, $0x1FF;
	v33 =	vmin.u32 v33, $0x1FF;
	v34 =	vmin.u32 v34, $0x1FF;
	v37 =	vld [tilespmem:s23+$0x2F]  }
0x89: {  	v39 =	vshll.u32 v28, $0x2;
	v38 =	vshll.u32 v22, $0x2;
	v7 =	vshll.u32 v35, $0x2;
	[tilespmem:v6+s21+$0x0] =	vst.idx.add.s32.msk vm7, v12  }
0x8a: {  	v40 =	vshll.u32 v33, $0x2;
	v6 =	vshll.u32 v30, $0x2;
	v12 =	vshll.u32 v31, $0x2;
	[tilespmem:v5+s21+$0x0] =	vst.idx.add.s32.msk vm6, v13  }
0x8b: {  	v41 =	vmov s2;
	v5 =	vmov s17;
	v13 =	vshll.u32 v34, $0x2;
	[tilespmem:v1+s21+$0x0] =	vst.idx.add.s32.msk vm5, v14  }
0x8c: {  	v42 =	vmov s16;
	v43 =	vmov s4;
	v1 =	vmov s3;
	[tilespmem:v9+s21+$0x0] =	vst.idx.add.s32.msk vm4, v17  }
0x8d: {  	v44 =	vmov s5;
	v45 =	vmov s18;
	v17 =	vand.u32 $0x780, v7;
	[tilespmem:v10+s21+$0x0] =	vst.idx.add.s32.msk vm3, v19  }
0x8e: {  	v9 =	vand.u32 $0x780, v6;
	v19 =	vand.u32 $0x780, v38;
	v38 =	vand.u32 $0x780, v39;
	[tilespmem:v8+s21+$0x0] =	vst.idx.add.s32.msk vm2, v20  }
0x8f: {  	v7 =	vand.u32 $0x780, v13;
	v10 =	vand.u32 $0x780, v12;
	v8 =	vand.u32 $0x780, v40;
	[tilespmem:v11+s21+$0x0] =	vst.idx.add.s32.msk vm1, v23  }
0x90: {  	v6 =	vand.u32 $0x1F, v35;
	v20 =	vand.u32 $0x1F, v22;
	v22 =	vand.u32 $0x1F, v28  }
0x91: {  	v14 =	vand.u32 $0x1F, v30;
	v13 =	vand.u32 $0x1F, v31;
	v12 =	vand.u32 $0x1F, v33  }
0x92: {  	vm3 =	vne.s32 v3, v25;
	vm2 =	vne.s32 v26, v15;
	v11 =	vand.u32 $0x1F, v34  }
.Ltmp5:
0x93: {  	vm11 =	vne.s32 v16, v29;
	vm10 =	vne.s32 v18, v32;
	vm4 =	vne.s32 v4, v27;
	(pc) =	sbr.rel @p2 .LBB2_10-.Ltmp5, $4  }
0x94: {  	vm5 =	vlt.u32 v5, $0xC350;
	vm9 =	vne.s32 v21, v36;
	vm8 =	vne.s32 v24, v37  }
0x95: {  	vm14 =	vlt.u32 v42, $0xC350;
	vm6 =	vlt.u32 v41, $0xC350;
	vm13 =	vlt.u32 v1, $0xC350  }
0x96: {  	vm15 =	vlt.u32 v43, $0xC350;
	vm12 =	vlt.u32 v44, $0xC350;
	vm1 =	vlt.u32 v45, $0xC350  }
0x97: {  	s23 =	sadd.s32 $0x80, s23;
	v6 =	vor.u32 v6, v17;
	v5 =	vor.u32 v20, v19;
	v1 =	vor.u32 v22, v38  }
0x98: {  	vm2 =	vmand vm5, vm2  }
0x99: {  	vm3 =	vmand vm6, vm3  }
0x9a: {  	vm4 =	vmand vm13, vm4  }
0x9b: {  	vm14 =	vmand vm14, vm11  }
0x9c: {  	v3 =	vor.u32 v14, v9;
	vm15 =	vmand vm15, vm10  }
0x9d: {  	v4 =	vor.u32 v13, v10;
	v59 =	vor.u32 s17, v2;
	vm7 =	vmand vm12, vm9  }
0x9e: {  	v8 =	vor.u32 v12, v8;
	vm1 =	vmand vm1, vm8;
	v60 =	vadd.s32 s2, v2;
	[tilespmem:v6+s21+$0x0] =	vst.idx.add.s32.msk vm2, v59  }
0x9f: {  	v61 =	vor.u32 v11, v7;
	v62 =	vor.u32 s3, v2;
	[tilespmem:v5+s21+$0x0] =	vst.idx.add.s32.msk vm3, v60  }
0xa0: {  	v63 =	vadd.s32 s16, v2;
	[tilespmem:v1+s21+$0x0] =	vst.idx.add.s32.msk vm4, v62  }
0xa1: {  	v1 =	vor.u32 s4, v2;
	[tilespmem:v3+s21+$0x0] =	vst.idx.add.s32.msk vm14, v63  }
0xa2: {  	v3 =	vadd.s32 s5, v2;
	[tilespmem:v4+s21+$0x0] =	vst.idx.add.s32.msk vm15, v1  }
0xa3: {  	v1 =	vor.u32 s18, v2;
	[tilespmem:v8+s21+$0x0] =	vst.idx.add.s32.msk vm7, v3  }
0xa4: {  	[tilespmem:v61+s21+$0x0] =	vst.idx.add.s32.msk vm1, v1  }
.LBB2_12:
0xa5: {  	v1 =	vld [tilespmem:s1+$0x0];
	_ =	sdelay $0x2  }
0xa6: {  	v3 =	vld [tilespmem:s1+$0xFFFFFFFF];
	_ =	sdelay $0x1  }
0xa7: {  	vm1 =	vgt.s32 v1, $0x0  }
0xa8: {  	s2 =	sadd.s32 s24, s15;
	v4 =	vnsel vm1, $0x0, v1  }
0xa9: {  	v5 =	vmov s2;
	v4 =	vmin.u32 v4, $0x1FF  }
0xaa: {  	vm2 =	vlt.u32 v5, $0xC350;
	vm1 =	vne.s32 v1, v3;
	v1 =	vshll.u32 v4, $0x2  }
0xab: {  	vm1 =	vmand vm2, vm1;
	v3 =	vand.u32 $0x1F, v4;
	v1 =	vand.u32 $0x780, v1  }
0xac: {  	p2 =	sne.s32 s24, $0x30;
	v1 =	vor.u32 v3, v1  }
.Ltmp6:
0xad: {  	_ = 	snop;
	(pc) =	sbr.rel @p2 .LBB2_12-.Ltmp6, $3  }
0xae: {  	_ =	sdelay $0x1  }
0xaf: {  	v3 =	vadd.s32 s2, v2  }
0xb0: {  	s1 =	sadd.s32 $0x10, s1;
	s24 =	sadd.s32 $0x10, s24;
	[tilespmem:v1+s21+$0x0] =	vst.idx.add.s32.msk vm1, v3  }
0xb1: {  	_ =	sdelay $0x2  }
0xb2: {  	[bflag:$0x0] =	sbarrier.arrive $0xFFFF  }
0xb3: {  	[spmem:s6] =	stream.indirect_vreg.scatter.add.s32 [tilespmem:s21], [sflag:$0x3], $0x80, v46, vm0, $0xb8;
	[tilespmem:$0x2A00] =	vst v63  }
0xb4: {  	_ =	swait.ge [sflag:s22], $0x800  }
0xb5: {  	[sflag:s22] =	ssyncset.done $0x0  }
0xb6: {  	[sflag:s22] =	ssyncadd.s32 $0xFFFFF800  }
0xb7: {  	s1 =	simm.s32 $0x1480;
	[bflag:$0x0] =	sbarrier.arrive $0xFFFF  }
0xb8: {  	[tilespmem:s1], [sflag:$0x3] =	stream.linear.gather [spmem:s11], $0x10, $0x38;
	[tilespmem:$0x2A00] =	vst v63  }
0xb9: {  	_ =	swait.ge [sflag:s22], $0x10  }
0xba: {  	[sflag:s22] =	ssyncset.done $0x0  }
0xbb: {  	[sflag:s22] =	ssyncadd.s32 $0xFFFFFFF0  }
0xbc: {  	v1 =	vld [tilespmem:$0x1480];
	_ =	sdelay $0x4  }
0xbd: {  	[tilespmem:$0x1FF10] =	vst v1;
	v1 =	vadd.s32 $0xFFFFFFFF, v1  }
0xbe: {  	vm1 =	vgt.s32 v1, $0x0  }
0xbf: {  	v1 =	vnsel vm1, $0x0, v1  }
0xc0: {  	v3 =	vshll.u32 v1, $0x1  }
0xc1: {  	v4 =	vand.u32 $0x7, v1;
	v3 =	vand.u32 $0xFFFFFFF0, v3  }
0xc2: {  	v3 =	vor.u32 v4, v3;
	v4 =	vld [tilespmem:$0x1FFD0]  }
0xc3: {  	v5 =	vld [tilespmem:$0x1FFE0]  }
0xc4: {  	v6 =	vld [tilespmem:$0x1FFF0];
	_ =	sdelay $0x2  }
0xc5: {  	v4 =	vperm.xlane v3, v4;
	_ =	sdelay $0x1  }
0xc6: {  	v3 =	vperm.xlane v3, v6;
	v4 =	vadd.s32 v5, v4;
	_ =	sdelay $0x1  }
0xc7: {  	v3 =	vadd.s32 v5, v3;
	_ =	sdelay $0x1  }
0xc8: {  	s30 =	simm.s32 $0x0;
	s23 =	simm.s32 $0x1580;
	[tilespmem:$0x1500] =	vst v1  }
0xc9: {  	[tilespmem:s23], [sflag:$0x1] =	stream.indirect_vreg.gather [hbm4b:s0+s30], $0x80, v4, vm0, $0xb8;
	[tilespmem:$0x2A00] =	vst v63  }
0xca: {  	s24 =	simm.s32 $0x1D80  }
0xcb: {  	[tilespmem:s24], [sflag:$0x1] =	stream.indirect_vreg.gather [hbm4b:s0+s30], $0x80, v3, vm0, $0xb8;
	[tilespmem:$0x2A00] =	vst v63  }
0xcc: {  	_ =	swait.ge [sflag:s26], $0x100  }
0xcd: {  	[sflag:s26] =	ssyncset.done $0x0  }
0xce: {  	[sflag:s26] =	ssyncadd.s32 $0xFFFFFF00  }
0xcf: {  	_ =	swait.ge [sflag:s26], $0x100  }
0xd0: {  	[sflag:s26] =	ssyncset.done $0x0  }
0xd1: {  	[sflag:s26] =	ssyncadd.s32 $0xFFFFFF00  }
0xd2: {  	_ =	swait.ge [sflag:s26], $0x100  }
0xd3: {  	[sflag:s26] =	ssyncset.done $0x0  }
0xd4: {  	[sflag:s26] =	ssyncadd.s32 $0xFFFFFF00  }
0xd5: {  	_ =	swait.ge [sflag:s26], $0x1  }
0xd6: {  	[sflag:s26] =	ssyncset.done $0x0  }
0xd7: {  	[sflag:s26] =	ssyncadd.s32 $0xFFFFFFFF  }
0xd8: {  	v1 =	vld [tilespmem:$0x2780]  }
0xd9: {  	v3 =	vld [tilespmem:$0x2580]  }
0xda: {  	v4 =	vld [tilespmem:$0x2680]  }
0xdb: {  	v5 =	vld [tilespmem:$0x2790]  }
0xdc: {  	v6 =	vld [tilespmem:$0x2590]  }
0xdd: {  	v7 =	vld [tilespmem:$0x2690]  }
0xde: {  	v8 =	vld [tilespmem:$0x27A0]  }
0xdf: {  	v9 =	vld [tilespmem:$0x25A0]  }
0xe0: {  	v10 =	vld [tilespmem:$0x26A0]  }
0xe1: {  	v11 =	vld [tilespmem:$0x27B0]  }
0xe2: {  	v12 =	vld [tilespmem:$0x25B0]  }
0xe3: {  	v15 =	vld [tilespmem:$0x26B0]  }
0xe4: {  	v17 =	vld [tilespmem:$0x27C0]  }
0xe5: {  	v13 =	vld [tilespmem:$0x25C0]  }
0xe6: {  	v23 =	vld [tilespmem:$0x27D0];
	v21 =	vmul.f32 v3, v1  }
0xe7: {  	v24 =	vld [tilespmem:$0x26D0]  }
0xe8: {  	v16 =	vld [tilespmem:$0x25E0];
	v22 =	vmul.f32 v6, v5;
	v14 =	vadd.f32 $0.0e+00, v21  }
0xe9: {  	v25 =	vld [tilespmem:$0x27F0]  }
0xea: {  	v26 =	vld [tilespmem:$0x25F0];
	v19 =	vmul.f32 v9, v8;
	v14 =	vadd.f32 v22, v14  }
0xeb: {  	v6 =	vld [tilespmem:$0x25D0]  }
0xec: {  	v27 =	vld [tilespmem:$0x26F0];
	v20 =	vmul.f32 v12, v11;
	v14 =	vadd.f32 v19, v14  }
0xed: {  	v9 =	vld [tilespmem:$0x27E0]  }
0xee: {  	v28 =	vld [tilespmem:$0x2600];
	v18 =	vmul.f32 v13, v17;
	v14 =	vadd.f32 v20, v14  }
0xef: {  	v29 =	vld [tilespmem:$0x2810]  }
0xf0: {  	v30 =	vld [tilespmem:$0x2840];
	v54 =	vmul.f32 v6, v23;
	v14 =	vadd.f32 v18, v14  }
0xf1: {  	v6 =	vld [tilespmem:$0x2800]  }
0xf2: {  	v13 =	vmul.f32 v26, v25;
	v26 =	vld [tilespmem:$0x2820];
	v52 =	vmul.f32 v16, v9;
	v14 =	vadd.f32 v54, v14  }
0xf3: {  	v1 =	vmul.f32 v4, v1;
	v16 =	vld [tilespmem:$0x2610]  }
0xf4: {  	v4 =	vld [tilespmem:$0x2620];
	v14 =	vadd.f32 v52, v14  }
0xf5: {  	v3 =	vld [tilespmem:$0x26C0];
	v5 =	vmul.f32 v7, v5;
	v1 =	vadd.f32 $0.0e+00, v1  }
0xf6: {  	v7 =	vld [tilespmem:$0x2630];
	v53 =	vmul.f32 v28, v6;
	v14 =	vadd.f32 v13, v14  }
0xf7: {  	v1 =	vadd.f32 v5, v1;
	v28 =	vld [tilespmem:$0x2830]  }
0xf8: {  	v12 =	vld [tilespmem:$0x26E0];
	v5 =	vmul.f32 v10, v8;
	v16 =	vmul.f32 v16, v29;
	v14 =	vadd.f32 v53, v14  }
0xf9: {  	v8 =	vld [tilespmem:$0x2640];
	v56 =	vmul.f32 v4, v26  }
0xfa: {  	v4 =	vld [tilespmem:$0x2850];
	v1 =	vadd.f32 v5, v1;
	v5 =	vmul.f32 v15, v11;
	v10 =	vadd.f32 v16, v14  }
0xfb: {  	v11 =	vld [tilespmem:$0x2650]  }
0xfc: {  	v1 =	vadd.f32 v5, v1;
	v5 =	vld [tilespmem:$0x2660];
	v57 =	vmul.f32 v7, v28;
	v10 =	vadd.f32 v56, v10  }
0xfd: {  	v3 =	vmul.f32 v3, v17;
	v7 =	vld [tilespmem:$0x2860]  }
0xfe: {  	v58 =	vmul.f32 v8, v30;
	v8 =	vld [tilespmem:$0x2870];
	v10 =	vadd.f32 v57, v10  }
0xff: {  	v1 =	vadd.f32 v3, v1;
	v3 =	vmul.f32 v24, v23;
	v23 =	vld [tilespmem:$0x2670]  }
0x100: {  	v17 =	vmul.f32 v11, v4;
	v10 =	vadd.f32 v58, v10  }
0x101: {  	v1 =	vadd.f32 v3, v1;
	v3 =	vmul.f32 v12, v9;
	v9 =	vld [tilespmem:$0x2700]  }
0x102: {  	v15 =	vmul.f32 v5, v7;
	v10 =	vadd.f32 v17, v10  }
0x103: {  	v1 =	vadd.f32 v3, v1;
	v3 =	vld [tilespmem:$0x2710]  }
0x104: {  	v5 =	vmul.f32 v27, v25;
	v14 =	vmul.f32 v23, v8;
	v10 =	vadd.f32 v15, v10  }
0x105: {  	v11 =	vld [tilespmem:$0x2720]  }
0x106: {  	v1 =	vadd.f32 v5, v1;
	v5 =	vmul.f32 v9, v6;
	v6 =	vadd.f32 v14, v10  }
0x107: {  	v9 =	vld [tilespmem:$0x2730]  }
0x108: {  	v3 =	vmul.f32 v3, v29;
	v1 =	vadd.f32 v5, v1;
	(xrf2) =	vadd.scan.msk.f32 $0xffff, v6  }
0x109: {  	v5 =	vld [tilespmem:$0x2740]  }
0x10a: {  	v1 =	vadd.f32 v3, v1;
	v3 =	vmul.f32 v11, v26  }
0x10b: {  	v6 =	vld [tilespmem:$0x2750]  }
0x10c: {  	v1 =	vadd.f32 v3, v1;
	v3 =	vmul.f32 v9, v28  }
0x10d: {  	v9 =	vld [tilespmem:$0x2760]  }
0x10e: {  	v1 =	vadd.f32 v3, v1;
	v3 =	vmul.f32 v5, v30  }
0x10f: {  	v5 =	vld [tilespmem:$0x2770]  }
0x110: {  	v1 =	vadd.f32 v3, v1;
	v3 =	vmul.f32 v6, v4;
	_ =	sdelay $0x1  }
0x111: {  	v1 =	vadd.f32 v3, v1;
	v3 =	vmul.f32 v9, v7;
	v4, _, _ =	vpop (xrf2)  }
0x112: {  	(v2sf) =	vpush v4, $0xF  }
0x113: {  	v1 =	vadd.f32 v3, v1;
	v3 =	vmul.f32 v5, v8;
	_ =	sdelay $0x1  }
0x114: {  	v1 =	vadd.f32 v3, v1;
	_ =	sdelay $0x1  }
0x115: {  	(xrf2) =	vadd.scan.msk.f32 $0xffff, v1;
	_ =	sdelay $0x9  }
0x116: {  	v23, _, _ =	vpop (xrf2);
	s31 =	spop (v2sf)  }
0x117: {  	s25 =	simm.s32 $0x80;
	s2 =	sand.u32 $0x800, s30;
	_ =	swait.ge [sflag:s20], $0x1000  }
0x118: {  	s3 =	sor.u32 $0x1580, s2;
	s1 =	sand.u32 $0x380, s25;
	[sflag:s20] =	ssyncset.done $0x0  }
0x119: {  	s4 =	simm.s32 $0x0;
	s2 =	sadd.s32 s1, s3;
	[sflag:s20] =	ssyncadd.s32 $0xFFFFF000  }
0x11a: {  	s4 =	sand.u32 $0x300, s4;
	v10 =	vld [tilespmem:s2+$0x10]  }
0x11b: {  	s1 =	sadd.s32 s4, s3;
	v11 =	vld [tilespmem:s2+$0x0]  }
0x11c: {  	v12 =	vld [tilespmem:s1+$0x0]  }
0x11d: {  	v30 =	vld [tilespmem:s1+$0x10]  }
0x11e: {  	v9 =	vld [tilespmem:s2+$0x30]  }
0x11f: {  	v28 =	vld [tilespmem:s2+$0x40];
	_ =	sdelay $0x1  }
0x120: {  	v31 =	vld [tilespmem:s2+$0x20]  }
0x121: {  	v25 =	vld [tilespmem:s1+$0x20];
	v1 =	vmul.f32 v11, v11;
	v3 =	vmul.f32 v10, v10  }
0x122: {  	v4 =	vmul.f32 v12, v12;
	v5 =	vmul.f32 v30, v30;
	v7 =	vadd.f32 $0.0e+00, v11  }
0x123: {  	v26 =	vld [tilespmem:s1+$0x30];
	v8 =	vadd.f32 $0.0e+00, v12;
	v32 =	vmul.f32 v9, v9;
	v34 =	vmul.f32 v28, v28  }
0x124: {  	v11 =	vmul.f32 v11, v21;
	v12 =	vmul.f32 v12, v21;
	v1 =	vadd.f32 v3, v1  }
0x125: {  	v3 =	vmul.f32 v31, v31;
	v4 =	vadd.f32 v5, v4;
	v7 =	vadd.f32 v10, v7  }
0x126: {  	v24 =	vld [tilespmem:s1+$0x40];
	v5 =	vmul.f32 v25, v25;
	v33 =	vadd.f32 v30, v8;
	v11 =	vadd.f32 $0.0e+00, v11  }
0x127: {  	v27 =	vld [tilespmem:s2+$0x50];
	v10 =	vmul.f32 v10, v22;
	v12 =	vadd.f32 $0.0e+00, v12;
	v1 =	vadd.f32 v3, v1  }
0x128: {  	v6 =	vld [tilespmem:s1+$0x50];
	v4 =	vadd.f32 v5, v4;
	v5 =	vmul.f32 v26, v26;
	v7 =	vadd.f32 v31, v7  }
0x129: {  	v29 =	vld [tilespmem:s2+$0x60];
	v30 =	vmul.f32 v30, v22;
	v35 =	vadd.f32 v25, v33;
	v10 =	vadd.f32 v10, v11  }
0x12a: {  	v3 =	vld [tilespmem:s1+$0x60];
	v11 =	vmul.f32 v31, v19;
	v32 =	vadd.f32 v32, v1;
	v4 =	vadd.f32 v5, v4  }
0x12b: {  	v8 =	vld [tilespmem:s2+$0x70];
	v5 =	vmul.f32 v24, v24;
	v36 =	vadd.f32 v9, v7;
	v35 =	vadd.f32 v26, v35  }
0x12c: {  	v49 =	vmul.f32 v27, v27;
	v1 =	vld [tilespmem:s1+$0x70];
	v10 =	vadd.f32 v11, v10;
	v32 =	vadd.f32 v34, v32  }
0x12d: {  	v37 =	vmul.f32 v6, v6;
	v33 =	vld [tilespmem:s2+$0x400];
	v11 =	vadd.f32 v30, v12;
	v4 =	vadd.f32 v5, v4  }
0x12e: {  	v38 =	vmul.f32 v29, v29;
	v5 =	vld [tilespmem:s1+$0x400];
	v39 =	vadd.f32 v28, v36;
	v32 =	vadd.f32 v49, v32  }
0x12f: {  	v7 =	vld [tilespmem:s2+$0x410];
	v35 =	vadd.f32 v24, v35;
	v50 =	vmul.f32 v3, v3;
	v37 =	vadd.f32 v37, v4  }
0x130: {  	v40 =	vmul.f32 v8, v8;
	v4 =	vld [tilespmem:s1+$0x410];
	v39 =	vadd.f32 v27, v39;
	v32 =	vadd.f32 v38, v32  }
0x131: {  	v36 =	vld [tilespmem:s2+$0x420];
	v35 =	vadd.f32 v6, v35;
	v51 =	vmul.f32 v1, v1;
	v34 =	vadd.f32 v50, v37  }
0x132: {  	v55 =	vmul.f32 v33, v33;
	v37 =	vld [tilespmem:s1+$0x420];
	v39 =	vadd.f32 v29, v39;
	v32 =	vadd.f32 v40, v32  }
0x133: {  	v41 =	vld [tilespmem:s2+$0x430];
	v43 =	vadd.f32 v3, v35;
	v59 =	vmul.f32 v5, v5;
	v34 =	vadd.f32 v51, v34  }
0x134: {  	v42 =	vmul.f32 v7, v7;
	v35 =	vld [tilespmem:s1+$0x430];
	v39 =	vadd.f32 v8, v39;
	v32 =	vadd.f32 v55, v32  }
0x135: {  	v40 =	vld [tilespmem:s2+$0x440];
	v43 =	vadd.f32 v1, v43;
	v44 =	vmul.f32 v4, v4;
	v34 =	vadd.f32 v59, v34  }
0x136: {  	v45 =	vld [tilespmem:s1+$0x440];
	v60 =	vmul.f32 v36, v36;
	v39 =	vadd.f32 v33, v39;
	v32 =	vadd.f32 v42, v32  }
0x137: {  	v43 =	vadd.f32 v5, v43;
	v61 =	vmul.f32 v37, v37;
	v42 =	vld [tilespmem:s2+$0x450];
	v34 =	vadd.f32 v44, v34  }
0x138: {  	v47 =	vmul.f32 v41, v41;
	v44 =	vld [tilespmem:s1+$0x450];
	v39 =	vadd.f32 v7, v39;
	v32 =	vadd.f32 v60, v32  }
0x139: {  	v38 =	vld [tilespmem:s2+$0x460];
	v62 =	vmul.f32 v35, v35;
	v43 =	vadd.f32 v4, v43;
	v34 =	vadd.f32 v61, v34  }
0x13a: {  	v48 =	vld [tilespmem:s1+$0x460];
	v49 =	vmul.f32 v40, v40;
	v39 =	vadd.f32 v36, v39;
	v32 =	vadd.f32 v47, v32  }
0x13b: {  	v50 =	vmul.f32 v45, v45;
	v43 =	vadd.f32 v37, v43;
	v47 =	vld [tilespmem:s2+$0x470];
	v34 =	vadd.f32 v62, v34  }
0x13c: {  	v55 =	vld [tilespmem:s1+$0x470];
	v39 =	vadd.f32 v41, v39;
	v63 =	vmul.f32 v42, v42;
	v32 =	vadd.f32 v49, v32  }
0x13d: {  	v43 =	vadd.f32 v35, v43;
	v51 =	vmul.f32 v44, v44;
	v34 =	vadd.f32 v50, v34  }
0x13e: {  	v59 =	vmul.f32 v38, v38;
	v39 =	vadd.f32 v40, v39;
	v32 =	vadd.f32 v63, v32  }
0x13f: {  	v60 =	vmul.f32 v48, v48;
	v43 =	vadd.f32 v45, v43;
	v34 =	vadd.f32 v51, v34  }
0x140: {  	v39 =	vadd.f32 v42, v39;
	v61 =	vmul.f32 v47, v47;
	v32 =	vadd.f32 v59, v32  }
0x141: {  	v62 =	vmul.f32 v55, v55;
	v43 =	vadd.f32 v44, v43;
	v34 =	vadd.f32 v60, v34  }
0x142: {  	v39 =	vadd.f32 v38, v39;
	v32 =	vadd.f32 v61, v32  }
0x143: {  	v12 =	vmul.f32 v25, v19;
	v43 =	vadd.f32 v48, v43;
	v34 =	vadd.f32 v62, v34  }
0x144: {  	v9 =	vmul.f32 v9, v20;
	v63 =	vadd.f32 v47, v39;
	(xrf2) =	vadd.scan.msk.f32 $0xffff, v32  }
0x145: {  	v11 =	vadd.f32 v12, v11;
	v12 =	vmul.f32 v26, v20;
	s1 =	simm.s32 $0x200;
	v39 =	vadd.f32 v55, v43;
	(xrf2) =	vadd.scan.msk.f32 $0xffff, v34  }
0x146: {  	s3 =	simm.s32 $0x180;
	v9 =	vadd.f32 v9, v10;
	v10 =	vmul.f32 v28, v18;
	s5 =	sand.u32 $0x800, s1;
	(xrf2) =	vadd.scan.msk.f32 $0xffff, v63  }
0x147: {  	s16 =	sand.u32 $0x380, s3;
	v11 =	vadd.f32 v12, v11;
	v12 =	vmul.f32 v24, v18;
	[tilespmem:$0x1FF20] =	vst v14;
	s2 =	sor.u32 $0x1580, s5;
	(xrf2) =	vadd.scan.msk.f32 $0xffff, v39  }
0x148: {  	v9 =	vadd.f32 v10, v9;
	v10 =	vmul.f32 v27, v54;
	s5 =	simm.s32 $0x100;
	[tilespmem:$0x1FF30] =	vst v15;
	s18 =	sadd.s32 s16, s2  }
0x149: {  	v6 =	vmul.f32 v6, v54;
	v11 =	vadd.f32 v12, v11;
	s17 =	sand.u32 $0x300, s5;
	v25 =	vld [tilespmem:s18+$0x470]  }
0x14a: {  	v9 =	vadd.f32 v10, v9;
	v10 =	vmul.f32 v29, v52;
	s4 =	sadd.s32 s17, s2;
	v26 =	vld [tilespmem:s18+$0x460];
	[tilespmem:$0x1FF40] =	vst v17  }
0x14b: {  	v3 =	vmul.f32 v3, v52;
	v6 =	vadd.f32 v6, v11;
	v27 =	vld [tilespmem:s4+$0x460]  }
0x14c: {  	v9 =	vadd.f32 v10, v9;
	v8 =	vmul.f32 v8, v13;
	v28 =	vld [tilespmem:s18+$0x450];
	[tilespmem:$0x1FF50] =	vst v58  }
0x14d: {  	v1 =	vmul.f32 v1, v13;
	v3 =	vadd.f32 v3, v6;
	v29 =	vld [tilespmem:s4+$0x450];
	[tilespmem:$0x1FF60] =	vst v54  }
0x14e: {  	v23 =	vbroadcast v23, $0xF;
	v8 =	vadd.f32 v8, v9;
	v9 =	vmul.f32 v33, v53;
	v30 =	vld [tilespmem:s18+$0x440];
	v43, _, _ =	vpop (xrf2)  }
0x14f: {  	v6 =	vmul.f32 v7, v16;
	v5 =	vmul.f32 v5, v53;
	v1 =	vadd.f32 v1, v3;
	v31 =	vld [tilespmem:s18+$0x430];
	[tilespmem:$0x1FF70] =	vst v52;
	v12, _, _ =	vpop (xrf2)  }
0x150: {  	v7 =	vadd.f32 v9, v8;
	v8 =	vmul.f32 v35, v57;
	v33 =	vld [tilespmem:s4+$0x420];
	(v2sf) =	vpush v43, $0xF;
	v10, _, _ =	vpop (xrf2)  }
0x151: {  	v4 =	vmul.f32 v4, v16;
	v1 =	vadd.f32 v5, v1;
	v32 =	vld [tilespmem:s18+$0x420];
	[tilespmem:$0x1FF80] =	vst v13;
	(v2sf) =	vpush v12, $0xF;
	v11, _, _ =	vpop (xrf2)  }
0x152: {  	v3 =	vmul.f32 v36, v56;
	v6 =	vadd.f32 v6, v7;
	v34 =	vld [tilespmem:s18+$0x410];
	[tilespmem:$0x1FF90] =	vst v57;
	(v2sf) =	vpush v11, $0xF  }
0x153: {  	v9 =	vmul.f32 v37, v56;
	v1 =	vadd.f32 v4, v1;
	v35 =	vld [tilespmem:s4+$0x410];
	[tilespmem:$0x1FFA0] =	vst v53;
	(v2sf) =	vpush v10, $0xF  }
0x154: {  	v46 =	vmul.f32 v38, v15;
	v3 =	vadd.f32 v3, v6;
	v49 =	vmul.f32 v41, v57;
	[tilespmem:$0x1FFB0] =	vst v56  }
0x155: {  	v24 =	vmul.f32 v40, v58;
	v1 =	vadd.f32 v9, v1;
	v51 =	vmul.f32 v48, v15;
	v36 =	vld [tilespmem:s18+$0x70];
	[tilespmem:$0x1FFC0] =	vst v16  }
0x156: {  	v3 =	vadd.f32 v49, v3;
	v50 =	vmul.f32 v47, v14;
	v48 =	vmul.f32 v44, v17;
	v40 =	vld [tilespmem:s18+$0x10]  }
0x157: {  	v1 =	vadd.f32 v8, v1;
	v54 =	vmul.f32 v26, v26;
	v47 =	vmul.f32 v45, v58;
	v44 =	vld [tilespmem:s18+$0x0]  }
0x158: {  	v3 =	vadd.f32 v24, v3;
	v52 =	vmul.f32 v25, v25;
	v39 =	vmul.f32 v42, v17;
	v42 =	vld [tilespmem:s4+$0x0]  }
0x159: {  	v55 =	vmul.f32 v55, v14;
	v58 =	vmul.f32 v30, v30;
	v1 =	vadd.f32 v47, v1;
	v45 =	vld [tilespmem:s18+$0x20]  }
0x15a: {  	v24 =	vimm.f32 $0.0e+00;
	v59 =	vmul.f32 v31, v31;
	v57 =	vmul.f32 v28, v28;
	v41 =	vld [tilespmem:s4+$0x10]  }
0x15b: {  	v60 =	vmul.f32 v33, v33;
	v53 =	vmul.f32 v27, v27;
	v1 =	vadd.f32 v48, v1;
	v37 =	vld [tilespmem:s4+$0x70]  }
0x15c: {  	v3 =	vadd.f32 v39, v3;
	v39 =	vld [tilespmem:s4+$0x60];
	v4 =	vmul.f32 v44, v44;
	v5 =	vmul.f32 v40, v40  }
0x15d: {  	v56 =	vmul.f32 v29, v29;
	v1 =	vadd.f32 v51, v1;
	v61 =	vmul.f32 v32, v32;
	v43 =	vld [tilespmem:s4+$0x20]  }
0x15e: {  	v38 =	vld [tilespmem:s18+$0x60];
	v3 =	vadd.f32 v46, v3;
	v4 =	vadd.f32 v5, v4;
	v5 =	vmul.f32 v45, v45  }
0x15f: {  	v47 =	vld [tilespmem:s18+$0x30];
	v63 =	vmul.f32 v34, v34;
	v6 =	vmul.f32 v42, v42;
	v7 =	vadd.f32 $0.0e+00, v44;
	s19 =	spop (v2sf)  }
0x160: {  	v49 =	vld [tilespmem:s18+$0x40];
	v8 =	vmul.f32 v41, v41;
	v3 =	vadd.f32 v50, v3;
	v9 =	vadd.f32 v5, v4;
	s19 =	smul.f32 $3.906250000e-03, s19;
	s23 =	spop (v2sf)  }
0x161: {  	v48 =	vld [tilespmem:s4+$0x40];
	v62 =	vmul.f32 v35, v35;
	v5 =	vadd.f32 v40, v7;
	v11 =	vadd.f32 $0.0e+00, v42;
	s23 =	smul.f32 $3.906250000e-03, s23;
	s24 =	spop (v2sf)  }
0x162: {  	v51 =	vld [tilespmem:s18+$0x50];
	v7 =	vmul.f32 v39, v39;
	v10 =	vadd.f32 v8, v6;
	v12 =	vmul.f32 v43, v43;
	s5 =	smul.f32 $3.906250000e-03, s24;
	s25 =	spop (v2sf)  }
0x163: {  	v46 =	vld [tilespmem:s4+$0x30];
	v6 =	vmul.f32 v36, v36;
	v8 =	vmul.f32 v37, v37;
	v11 =	vadd.f32 v41, v11;
	s16 =	smul.f32 $3.906250000e-03, s25  }
0x164: {  	s2 =	simm.s32 $0x2;
	s17 =	simm.s32 $0x4;
	v50 =	vld [tilespmem:s4+$0x50];
	v4 =	vadd.f32 v12, v10;
	v10 =	vmul.f32 v38, v38;
	v12 =	vmul.f32 v47, v47;
	s24 =	smul.f32 s5, s5  }
.LBB2_14:
0x165: {  	_ =	sdelay $0x2  }
0x166: {  	v11 =	vadd.f32 v43, v11;
	v5 =	vadd.f32 v45, v5;
	s25 =	smul.f32 s16, s16;
	v13 =	vmul.f32 v46, v46  }
0x167: {  	(xrf2) =	vadd.scan.msk.f32 $0xffff, v3;
	v3 =	vadd.f32 v12, v9;
	v1 =	vadd.f32 v55, v1;
	s23 =	ssub.f32 s23, s24;
	v9 =	vmul.f32 v49, v49  }
0x168: {  	s19 =	ssub.f32 s19, s25;
	v12 =	vmul.f32 v48, v48;
	v11 =	vadd.f32 v46, v11;
	v4 =	vadd.f32 v13, v4  }
0x169: {  	v5 =	vadd.f32 v47, v5;
	s23 =	sadd.f32 $9.999999740e-06, s23;
	v3 =	vadd.f32 v9, v3;
	v9 =	vmul.f32 v51, v51  }
0x16a: {  	(xrf2) =	vadd.scan.msk.f32 $0xffff, v1;
	v11 =	vadd.f32 v48, v11;
	v1 =	vadd.f32 v12, v4  }
0x16b: {  	s19 =	sadd.f32 $9.999999740e-06, s19;
	v4 =	vmul.f32 v50, v50;
	v9 =	vadd.f32 v9, v3;
	v3 =	vmov s23  }
0x16c: {  	v12 =	vadd.f32 v49, v5;
	v11 =	vadd.f32 v50, v11;
	v13 =	vshrl.u32 v3, $0x1  }
0x16d: {  	v55 =	vmul.f32 $5.000000000e-01, v3;
	v3 =	vmov s19;
	v13 =	vsub.s32 $0x5F3759DF, v13  }
0x16e: {  	v14 =	vshrl.u32 v3, $0x1;
	v15 =	vmul.f32 $5.000000000e-01, v3;
	v1 =	vadd.f32 v4, v1  }
0x16f: {  	v5 =	vld [tilespmem:s18+$0x400];
	v12 =	vadd.f32 v51, v12;
	v4 =	vmul.f32 v13, v55;
	v14 =	vsub.s32 $0x5F3759DF, v14  }
0x170: {  	v3 =	vld [tilespmem:s4+$0x400];
	v16 =	vmul.f32 v14, v15;
	v1 =	vadd.f32 v7, v1;
	v7 =	vadd.f32 v10, v9  }
0x171: {  	v10 =	vadd.f32 v39, v11;
	v4 =	vmul.f32 v13, v4  }
0x172: {  	v11 =	vadd.f32 v38, v12;
	v12 =	vmul.f32 v14, v16;
	v6 =	vadd.f32 v6, v7  }
0x173: {  	v9, _, _ =	vpop (xrf2);
	v1 =	vadd.f32 v8, v1;
	v4 =	vsub.f32 $1.500000000e+00, v4  }
0x174: {  	v7 =	vmul.f32 v5, v5;
	v8, _, _ =	vpop (xrf2);
	v11 =	vadd.f32 v36, v11;
	v12 =	vsub.f32 $1.500000000e+00, v12  }
0x175: {  	v16 =	vmul.f32 v3, v3;
	(v2sf) =	vpush v8, $0xF;
	v4 =	vmul.f32 v13, v4  }
0x176: {  	v7 =	vadd.f32 v7, v6;
	(v2sf) =	vpush v9, $0xF;
	v6 =	vld [tilespmem:s4+$0x430];
	v12 =	vmul.f32 v14, v12  }
0x177: {  	v8 =	vld [tilespmem:s4+$0x440];
	v9 =	vadd.f32 v37, v10;
	v1 =	vadd.f32 v16, v1;
	v10 =	vmul.f32 v4, v55  }
0x178: {  	v11 =	vadd.f32 v5, v11;
	v7 =	vadd.f32 v63, v7;
	v13 =	vmul.f32 v12, v15  }
0x179: {  	v9 =	vadd.f32 v3, v9;
	v1 =	vadd.f32 v62, v1;
	v10 =	vmul.f32 v10, v4  }
0x17a: {  	v11 =	vadd.f32 v34, v11;
	v7 =	vadd.f32 v61, v7;
	v13 =	vmul.f32 v13, v12  }
0x17b: {  	v1 =	vadd.f32 v60, v1;
	v16 =	vmul.f32 v6, v6;
	v10 =	vsub.f32 $1.500000000e+00, v10  }
0x17c: {  	v14 =	vmul.f32 v8, v8;
	v7 =	vadd.f32 v59, v7;
	v13 =	vsub.f32 $1.500000000e+00, v13  }
0x17d: {  	v9 =	vadd.f32 v35, v9;
	v1 =	vadd.f32 v16, v1;
	v4 =	vmul.f32 v10, v4  }
0x17e: {  	v7 =	vadd.f32 v58, v7;
	v10 =	vadd.f32 v32, v11;
	v11 =	vmul.f32 v13, v12  }
0x17f: {  	v9 =	vadd.f32 v33, v9;
	v1 =	vadd.f32 v14, v1;
	v12 =	vld [tilespmem:s4+$0x470];
	v13 =	vmul.f32 v4, v55  }
0x180: {  	v7 =	vadd.f32 v57, v7;
	v10 =	vadd.f32 v31, v10;
	v14 =	vmul.f32 v11, v15  }
0x181: {  	v9 =	vadd.f32 v6, v9;
	v1 =	vadd.f32 v56, v1;
	v13 =	vmul.f32 v13, v4  }
0x182: {  	v7 =	vadd.f32 v54, v7;
	v10 =	vadd.f32 v30, v10;
	v14 =	vmul.f32 v14, v11  }
0x183: {  	s23 =	smul.f32 s5, s31;
	v1 =	vadd.f32 v53, v1;
	v13 =	vsub.f32 $1.500000000e+00, v13  }
0x184: {  	s24 =	smul.f32 s16, s31;
	v7 =	vadd.f32 v52, v7;
	s25 =	spop (v2sf);
	v16 =	vmul.f32 v12, v12;
	v14 =	vsub.f32 $1.500000000e+00, v14  }
0x185: {  	v10 =	vadd.f32 v28, v10;
	s4 =	ssub.f32 s25, s23;
	s18 =	spop (v2sf);
	v4 =	vmul.f32 v13, v4  }
0x186: {  	(xrf2) =	vadd.scan.msk.f32 $0xffff, v7;
	v7 =	vadd.f32 v8, v9;
	s5 =	ssub.f32 s18, s24;
	v1 =	vadd.f32 v16, v1;
	v9 =	vmul.f32 v14, v11  }
0x187: {  	v15 =	vmov s30;
	v10 =	vadd.f32 v26, v10;
	v11 =	vmul.f32 s4, v4  }
0x188: {  	v17 =	vld [tilespmem:$0x1FF50];
	v13 =	vlaneseq.u32;
	v7 =	vadd.f32 v29, v7;
	(xrf2) =	vadd.scan.msk.f32 $0xffff, v1;
	v1 =	vmul.f32 s5, v9  }
0x189: {  	s1 =	sadd.s32 $0x200, s1;
	s19 =	sadd.s32 $0x1, s30;
	vm1 =	veq.s32 v15, v13;
	v9 =	vadd.f32 v25, v10;
	v10 =	vadd.f32 v11, v23  }
0x18a: {  	s3 =	sadd.s32 $0x100, s3;
	s23 =	sand.u32 $0x800, s1;
	v4 =	vmov s19;
	v7 =	vadd.f32 v27, v7;
	v1 =	vadd.f32 v1, v23  }
0x18b: {  	s24 =	sand.u32 $0x380, s3;
	s4 =	sor.u32 $0x1580, s23;
	vm2 =	veq.s32 v4, v13;
	v13 =	vld [tilespmem:$0x1FF20];
	(xrf2) =	vadd.scan.msk.f32 $0xffff, v9;
	v9 =	vsel vm1, v10, v24  }
0x18c: {  	v62 =	vld [tilespmem:$0x1FF60];
	s18 =	sadd.s32 s24, s4;
	v10 =	vadd.f32 v12, v7;
	v24 =	vsel vm2, v1, v9;
	v9 =	vmul.f32 v42, v21  }
0x18d: {  	v16 =	vmul.f32 v30, v17;
	v30 =	vld [tilespmem:s18+$0x440]  }
0x18e: {  	s25 =	sadd.s32 $0xFFFFFF80, s3;
	(xrf2) =	vadd.scan.msk.f32 $0xffff, v10;
	v10 =	vadd.f32 $0.0e+00, v9;
	v9 =	vld [tilespmem:$0x1FF40]  }
0x18f: {  	s16 =	sand.u32 $0x300, s25;
	v11 =	vmul.f32 v44, v21;
	v1 =	vld [tilespmem:$0x1FF30]  }
0x190: {  	s4 =	sadd.s32 s16, s4;
	v44 =	vld [tilespmem:$0x1FF70];
	v4 =	vmul.f32 v25, v13  }
0x191: {  	v11 =	vadd.f32 $0.0e+00, v11;
	v42 =	vld [tilespmem:s4+$0x0];
	v55 =	vmul.f32 v12, v13;
	v13 =	vmul.f32 v40, v22  }
0x192: {  	v17 =	vmul.f32 v8, v17;
	v12 =	vmul.f32 v45, v19;
	v25 =	vld [tilespmem:s18+$0x470]  }
0x193: {  	v11 =	vadd.f32 v13, v11;
	v14 =	vmul.f32 v28, v9;
	v9 =	vmul.f32 v29, v9;
	v29 =	vld [tilespmem:$0x1FF90]  }
0x194: {  	v45 =	vld [tilespmem:$0x1FF80];
	v13 =	vmul.f32 v41, v22;
	v7 =	vmul.f32 v26, v1  }
0x195: {  	v40 =	vld [tilespmem:s18+$0x10];
	v15, _, _ =	vpop (xrf2);
	v1 =	vmul.f32 v27, v1;
	v11 =	vadd.f32 v12, v11;
	v27 =	vmul.f32 v47, v20  }
0x196: {  	(v2sf) =	vpush v15, $0xF;
	v10 =	vadd.f32 v13, v10;
	v13 =	vmul.f32 v43, v19;
	v26 =	vld [tilespmem:s18+$0x460];
	v12, _, _ =	vpop (xrf2)  }
0x197: {  	(v2sf) =	vpush v12, $0xF;
	v12 =	vld [tilespmem:s18+$0x410];
	v8 =	vadd.f32 v27, v11;
	v11 =	vmul.f32 v49, v18  }
0x198: {  	v27 =	vld [tilespmem:s4+$0x460];
	v10 =	vadd.f32 v13, v10;
	v13 =	vmul.f32 v46, v20;
	v43 =	vmul.f32 v31, v29  }
0x199: {  	v46 =	vmul.f32 v6, v29;
	v6 =	vadd.f32 v11, v8;
	v8 =	vmul.f32 v51, v62;
	v31 =	vld [tilespmem:$0x1FFB0]  }
0x19a: {  	v10 =	vadd.f32 v13, v10;
	v11 =	vmul.f32 v48, v18;
	v48 =	vld [tilespmem:$0x1FFA0]  }
0x19b: {  	v28 =	vld [tilespmem:s18+$0x450];
	v63, _, _ =	vpop (xrf2);
	v6 =	vadd.f32 v8, v6;
	v8 =	vmul.f32 v38, v44  }
0x19c: {  	v58 =	vmul.f32 v30, v30;
	v49 =	vld [tilespmem:$0x1FFC0];
	v15, _, _ =	vpop (xrf2);
	v10 =	vadd.f32 v11, v10;
	v11 =	vmul.f32 v50, v62  }
0x19d: {  	v29 =	vld [tilespmem:s4+$0x450];
	(v2sf) =	vpush v15, $0xF;
	v6 =	vadd.f32 v8, v6;
	v8 =	vmul.f32 v36, v45  }
0x19e: {  	(v2sf) =	vpush v63, $0xF;
	v10 =	vadd.f32 v11, v10;
	v11 =	vmul.f32 v39, v44;
	v36 =	vld [tilespmem:s18+$0x70]  }
0x19f: {  	v44 =	vld [tilespmem:s18+$0x0];
	v13 =	vmul.f32 v32, v31;
	v5 =	vmul.f32 v5, v48;
	v6 =	vadd.f32 v8, v6  }
0x1a0: {  	v47 =	vmul.f32 v33, v31;
	v31 =	vld [tilespmem:s18+$0x430];
	v10 =	vadd.f32 v11, v10;
	v11 =	vmul.f32 v37, v45  }
0x1a1: {  	v52 =	vmul.f32 v25, v25;
	v15 =	vmul.f32 v34, v49;
	v32 =	vld [tilespmem:s18+$0x420];
	v5 =	vadd.f32 v5, v6  }
0x1a2: {  	v54 =	vmul.f32 v26, v26;
	v33 =	vld [tilespmem:s4+$0x420];
	v3 =	vmul.f32 v3, v48;
	v6 =	vadd.f32 v11, v10  }
0x1a3: {  	v53 =	vmul.f32 v27, v27;
	v57 =	vmul.f32 v28, v28;
	v34 =	vmovc v12;
	v8 =	vld [tilespmem:s4+$0x410];
	v5 =	vadd.f32 v15, v5  }
0x1a4: {  	v63 =	vmul.f32 v12, v34;
	v50 =	vmul.f32 v35, v49;
	v3 =	vadd.f32 v3, v6  }
0x1a5: {  	v41 =	vld [tilespmem:s4+$0x10];
	v12 =	vmul.f32 v42, v42;
	v56 =	vmul.f32 v29, v29;
	v5 =	vadd.f32 v13, v5  }
0x1a6: {  	v37 =	vld [tilespmem:s4+$0x70];
	v11 =	vmul.f32 v40, v40;
	v10 =	vmul.f32 v44, v44;
	v3 =	vadd.f32 v50, v3  }
0x1a7: {  	v38 =	vld [tilespmem:s18+$0x60];
	v61 =	vmul.f32 v32, v32;
	v59 =	vmul.f32 v31, v31;
	v5 =	vadd.f32 v43, v5  }
0x1a8: {  	v45 =	vld [tilespmem:s18+$0x20];
	v60 =	vmul.f32 v33, v33;
	v6 =	vmul.f32 v36, v36;
	v35 =	vmovc v8;
	v3 =	vadd.f32 v47, v3  }
0x1a9: {  	v15 =	vadd.f32 $0.0e+00, v42;
	v62 =	vmul.f32 v8, v35;
	v43 =	vld [tilespmem:s4+$0x20];
	v5 =	vadd.f32 v16, v5  }
0x1aa: {  	v39 =	vld [tilespmem:s4+$0x60];
	s19 =	spop (v2sf);
	v13 =	vadd.f32 $0.0e+00, v44;
	v16 =	vmul.f32 v41, v41;
	v3 =	vadd.f32 v46, v3  }
0x1ab: {  	p2 =	slt.u32 s17, $0xE;
	s19 =	smul.f32 $3.906250000e-03, s19;
	v8 =	vmul.f32 v37, v37;
	v50 =	vadd.f32 v11, v10;
	v47 =	vld [tilespmem:s18+$0x30];
	v11 =	vadd.f32 v14, v5  }
.Ltmp7:
0x1ac: {  	v51 =	vld [tilespmem:s18+$0x50];
	s23 =	spop (v2sf);
	v10 =	vmul.f32 v38, v38;
	v12 =	vadd.f32 v16, v12;
	v3 =	vadd.f32 v17, v3;
	(pc) =	sbr.rel @p2 .LBB2_14-.Ltmp7, $4  }
0x1ad: {  	v49 =	vld [tilespmem:s18+$0x40];
	s23 =	smul.f32 $3.906250000e-03, s23;
	s24 =	spop (v2sf);
	v5 =	vadd.f32 v40, v13;
	v13 =	vmul.f32 v45, v45;
	v14 =	vadd.f32 v7, v11  }
0x1ae: {  	v48 =	vld [tilespmem:s4+$0x40];
	s5 =	smul.f32 $3.906250000e-03, s24;
	s25 =	spop (v2sf);
	v11 =	vadd.f32 v41, v15;
	v15 =	vmul.f32 v43, v43;
	v16 =	vadd.f32 v9, v3  }
0x1af: {  	s30 =	smov.u32 s2;
	v46 =	vld [tilespmem:s4+$0x30];
	s16 =	smul.f32 $3.906250000e-03, s25;
	v7 =	vmul.f32 v39, v39;
	v9 =	vadd.f32 v13, v50;
	v3 =	vadd.f32 v4, v14  }
0x1b0: {  	s2 =	smov.u32 s17;
	s17 =	sadd.s32 $0x2, s17;
	s24 =	smul.f32 s5, s5;
	v50 =	vld [tilespmem:s4+$0x50];
	v4 =	vadd.f32 v15, v12;
	v12 =	vmul.f32 v47, v47;
	v1 =	vadd.f32 v1, v16  }
0x1b1: {  	_ =	sdelay $0x2  }
0x1b2: {  	v5 =	vadd.f32 v45, v5;
	v17 =	vmul.f32 v46, v46  }
0x1b3: {  	v11 =	vadd.f32 v43, v11;
	v9 =	vadd.f32 v12, v9;
	v13 =	vmul.f32 v49, v49  }
0x1b4: {  	v1 =	vadd.f32 v55, v1;
	v16 =	vmul.f32 v48, v48;
	v4 =	vadd.f32 v17, v4  }
0x1b5: {  	v5 =	vadd.f32 v47, v5;
	v9 =	vadd.f32 v13, v9;
	v17 =	vmul.f32 v51, v51  }
0x1b6: {  	v14 =	vld [tilespmem:s18+$0x400];
	v11 =	vadd.f32 v46, v11;
	v55 =	vmul.f32 v50, v50;
	v4 =	vadd.f32 v16, v4  }
0x1b7: {  	v13 =	vld [tilespmem:s4+$0x400];
	v5 =	vadd.f32 v49, v5;
	v9 =	vadd.f32 v17, v9  }
0x1b8: {  	v11 =	vadd.f32 v48, v11;
	v4 =	vadd.f32 v55, v4  }
0x1b9: {  	v5 =	vadd.f32 v51, v5;
	v9 =	vadd.f32 v10, v9  }
0x1ba: {  	v16 =	vadd.f32 v50, v11;
	v4 =	vadd.f32 v7, v4  }
0x1bb: {  	v17 =	vmul.f32 v14, v14;
	v5 =	vadd.f32 v38, v5;
	v6 =	vadd.f32 v6, v9  }
0x1bc: {  	v55 =	vmul.f32 v13, v13;
	v7 =	vadd.f32 v39, v16;
	v4 =	vadd.f32 v8, v4  }
0x1bd: {  	v5 =	vadd.f32 v36, v5;
	v9 =	vld [tilespmem:s4+$0x430];
	v6 =	vadd.f32 v17, v6  }
0x1be: {  	v7 =	vadd.f32 v37, v7;
	v4 =	vadd.f32 v55, v4  }
0x1bf: {  	v5 =	vadd.f32 v14, v5;
	v8 =	vld [tilespmem:s4+$0x440];
	v6 =	vadd.f32 v63, v6  }
0x1c0: {  	v7 =	vadd.f32 v13, v7;
	v4 =	vadd.f32 v62, v4  }
0x1c1: {  	v5 =	vadd.f32 v34, v5;
	v6 =	vadd.f32 v61, v6  }
0x1c2: {  	v12 =	vmul.f32 v9, v9;
	v7 =	vadd.f32 v35, v7;
	v4 =	vadd.f32 v60, v4  }
0x1c3: {  	v5 =	vadd.f32 v32, v5;
	v6 =	vadd.f32 v59, v6  }
0x1c4: {  	v15 =	vmul.f32 v8, v8;
	v7 =	vadd.f32 v33, v7;
	v4 =	vadd.f32 v12, v4  }
0x1c5: {  	v11 =	vld [tilespmem:s4+$0x470];
	v5 =	vadd.f32 v31, v5;
	v6 =	vadd.f32 v58, v6  }
0x1c6: {  	v7 =	vadd.f32 v9, v7;
	v4 =	vadd.f32 v15, v4  }
0x1c7: {  	v5 =	vadd.f32 v30, v5;
	v6 =	vadd.f32 v57, v6  }
0x1c8: {  	v7 =	vadd.f32 v8, v7;
	v4 =	vadd.f32 v56, v4  }
0x1c9: {  	v5 =	vadd.f32 v28, v5;
	v6 =	vadd.f32 v54, v6  }
0x1ca: {  	v16 =	vmul.f32 v11, v11;
	v7 =	vadd.f32 v29, v7;
	v4 =	vadd.f32 v53, v4  }
0x1cb: {  	(xrf2) =	vadd.scan.msk.f32 $0xffff, v3;
	v5 =	vadd.f32 v26, v5;
	v3 =	vadd.f32 v52, v6  }
0x1cc: {  	(xrf2) =	vadd.scan.msk.f32 $0xffff, v1;
	v17 =	vadd.f32 v27, v7;
	v1 =	vadd.f32 v16, v4  }
0x1cd: {  	(xrf2) =	vadd.scan.msk.f32 $0xffff, v3;
	v3 =	vadd.f32 v25, v5  }
0x1ce: {  	v4 =	vadd.f32 v11, v17;
	(xrf2) =	vadd.scan.msk.f32 $0xffff, v1;
	v1 =	vmul.f32 v44, v21  }
0x1cf: {  	(xrf2) =	vadd.scan.msk.f32 $0xffff, v3;
	v3 =	vmul.f32 v42, v21  }
0x1d0: {  	v21 =	vmul.f32 v40, v22;
	(xrf2) =	vadd.scan.msk.f32 $0xffff, v4;
	v1 =	vadd.f32 $0.0e+00, v1  }
0x1d1: {  	v40 =	vmul.f32 v41, v22;
	v3 =	vadd.f32 $0.0e+00, v3  }
0x1d2: {  	v10 =	vld [tilespmem:$0x1FFA0];
	v41 =	vmul.f32 v45, v19;
	v1 =	vadd.f32 v21, v1  }
0x1d3: {  	v53 =	vld [tilespmem:$0x1FF60];
	v42 =	vmul.f32 v43, v19;
	v3 =	vadd.f32 v40, v3  }
0x1d4: {  	v43 =	vmul.f32 v47, v20;
	v1 =	vadd.f32 v41, v1  }
0x1d5: {  	v57 =	vld [tilespmem:$0x1FF70];
	v44 =	vmul.f32 v46, v20;
	v45, _, _ =	vpop (xrf2);
	v3 =	vadd.f32 v42, v3  }
0x1d6: {  	v48 =	vmul.f32 v48, v18;
	v47 =	vmul.f32 v49, v18;
	v46, _, _ =	vpop (xrf2);
	v1 =	vadd.f32 v43, v1  }
0x1d7: {  	v61 =	vld [tilespmem:$0x1FF80];
	v6 =	vmul.f32 v13, v10;
	(v2sf) =	vpush v46, $0xF;
	v49, _, _ =	vpop (xrf2);
	v3 =	vadd.f32 v44, v3  }
0x1d8: {  	v54 =	vmul.f32 v51, v53;
	(v2sf) =	vpush v45, $0xF;
	v1 =	vadd.f32 v47, v1;
	v52, _, _ =	vpop (xrf2)  }
0x1d9: {  	v55 =	vmul.f32 v50, v53;
	(v2sf) =	vpush v49, $0xF;
	v3 =	vadd.f32 v48, v3;
	v56, _, _ =	vpop (xrf2)  }
0x1da: {  	v58 =	vmul.f32 v38, v57;
	(v2sf) =	vpush v52, $0xF;
	v1 =	vadd.f32 v54, v1;
	v59, _, _ =	vpop (xrf2)  }
0x1db: {  	v13 =	vld [tilespmem:$0x1FFC0];
	v60 =	vmul.f32 v39, v57;
	v3 =	vadd.f32 v55, v3;
	(v2sf) =	vpush v59, $0xF  }
0x1dc: {  	v62 =	vmul.f32 v36, v61;
	v1 =	vadd.f32 v58, v1;
	(v2sf) =	vpush v56, $0xF  }
0x1dd: {  	v63 =	vmul.f32 v37, v61;
	v15 =	vld [tilespmem:$0x1FFB0];
	v3 =	vadd.f32 v60, v3  }
0x1de: {  	v12 =	vmul.f32 v14, v10;
	v17 =	vld [tilespmem:$0x1FF90];
	v1 =	vadd.f32 v62, v1  }
0x1df: {  	v21 =	vld [tilespmem:$0x1FF40];
	v3 =	vadd.f32 v63, v3  }
0x1e0: {  	v14 =	vmul.f32 v34, v13;
	v1 =	vadd.f32 v12, v1  }
0x1e1: {  	v5 =	vmul.f32 v35, v13;
	v19 =	vld [tilespmem:$0x1FF50];
	v3 =	vadd.f32 v6, v3  }
0x1e2: {  	v16 =	vmul.f32 v32, v15;
	v1 =	vadd.f32 v14, v1  }
0x1e3: {  	v6 =	vmul.f32 v33, v15;
	v3 =	vadd.f32 v5, v3  }
0x1e4: {  	v18 =	vmul.f32 v31, v17;
	v22 =	vmul.f32 v28, v21;
	v1 =	vadd.f32 v16, v1  }
0x1e5: {  	v28 =	vmul.f32 v29, v21;
	v29 =	vld [tilespmem:$0x1FF30];
	v5 =	vmul.f32 v9, v17;
	v3 =	vadd.f32 v6, v3  }
0x1e6: {  	s18 =	smul.f32 s16, s16;
	v20 =	vmul.f32 v30, v19;
	s1 =	spop (v2sf);
	v1 =	vadd.f32 v18, v1  }
0x1e7: {  	s17 =	ssub.f32 s23, s24;
	v32 =	vld [tilespmem:$0x1FF20];
	s3 =	spop (v2sf);
	v6 =	vmul.f32 v8, v19;
	v3 =	vadd.f32 v5, v3  }
0x1e8: {  	s18 =	ssub.f32 s19, s18;
	s23 =	spop (v2sf);
	v1 =	vadd.f32 v20, v1  }
0x1e9: {  	s19 =	smul.f32 $3.906250000e-03, s23;
	s24 =	spop (v2sf);
	v3 =	vadd.f32 v6, v3  }
0x1ea: {  	v30 =	vmul.f32 v26, v29;
	s23 =	smul.f32 $3.906250000e-03, s24;
	v1 =	vadd.f32 v22, v1;
	s25 =	spop (v2sf)  }
0x1eb: {  	v31 =	vmul.f32 v27, v29;
	v3 =	vadd.f32 v28, v3;
	s4 =	smul.f32 $3.906250000e-03, s25;
	s24 =	spop (v2sf)  }
0x1ec: {  	v33 =	vmul.f32 v25, v32;
	s25 =	sadd.f32 $9.999999740e-06, s17;
	v1 =	vadd.f32 v30, v1;
	s17 =	smul.f32 $3.906250000e-03, s24  }
0x1ed: {  	s18 =	sadd.f32 $9.999999740e-06, s18;
	v34 =	vmul.f32 v11, v32;
	v3 =	vadd.f32 v31, v3;
	s24 =	smul.f32 s4, s4  }
0x1ee: {  	v35 =	vmov s25;
	v1 =	vadd.f32 v33, v1;
	s25 =	smul.f32 s17, s17  }
0x1ef: {  	v37 =	vmov s18;
	s23 =	ssub.f32 s23, s24;
	v3 =	vadd.f32 v34, v3  }
0x1f0: {  	v6 =	vmul.f32 $5.000000000e-01, v37;
	s24 =	ssub.f32 s19, s25;
	(xrf2) =	vadd.scan.msk.f32 $0xffff, v1;
	v1 =	vshrl.u32 v37, $0x1  }
0x1f1: {  	v36 =	vshrl.u32 v35, $0x1;
	v5 =	vmul.f32 $5.000000000e-01, v35;
	s25 =	sadd.f32 $9.999999740e-06, s23;
	(xrf2) =	vadd.scan.msk.f32 $0xffff, v3;
	v1 =	vsub.s32 $0x5F3759DF, v1  }
0x1f2: {  	v4 =	vsub.s32 $0x5F3759DF, v36;
	v3 =	vmul.f32 v1, v6  }
0x1f3: {  	v38 =	vmul.f32 v4, v5;
	v39 =	vmov s25  }
0x1f4: {  	s18 =	sadd.f32 $9.999999740e-06, s24;
	v40 =	vshrl.u32 v39, $0x1;
	v8 =	vmul.f32 $5.000000000e-01, v39;
	v3 =	vmul.f32 v1, v3  }
0x1f5: {  	v7 =	vmul.f32 v4, v38;
	v9 =	vsub.s32 $0x5F3759DF, v40  }
0x1f6: {  	v41 =	vmov s18;
	v43 =	vmul.f32 v9, v8;
	v3 =	vsub.f32 $1.500000000e+00, v3  }
0x1f7: {  	v7 =	vsub.f32 $1.500000000e+00, v7;
	v42 =	vshrl.u32 v41, $0x1;
	v10 =	vmul.f32 $5.000000000e-01, v41  }
0x1f8: {  	v11 =	vsub.s32 $0x5F3759DF, v42;
	v12 =	vmul.f32 v9, v43  }
0x1f9: {  	v4 =	vmul.f32 v4, v7;
	v44 =	vmul.f32 v11, v10  }
0x1fa: {  	v1 =	vmul.f32 v1, v3;
	v3, _, _ =	vpop (xrf2);
	v12 =	vsub.f32 $1.500000000e+00, v12  }
0x1fb: {  	v46 =	vmul.f32 v4, v5;
	v45 =	vmul.f32 v11, v44;
	v47, _, _ =	vpop (xrf2)  }
0x1fc: {  	v48 =	vmul.f32 v1, v6;
	v9 =	vmul.f32 v9, v12;
	(v2sf) =	vpush v47, $0xF  }
0x1fd: {  	v13 =	vmul.f32 v46, v4;
	v7 =	vsub.f32 $1.500000000e+00, v45  }
0x1fe: {  	(v2sf) =	vpush v3, $0xF;
	v3 =	vmul.f32 v48, v1;
	v49 =	vmul.f32 v9, v8  }
0x1ff: {  	v50 =	vsub.f32 $1.500000000e+00, v13  }
0x200: {  	v7 =	vmul.f32 v11, v7;
	v3 =	vsub.f32 $1.500000000e+00, v3;
	v11 =	vmul.f32 v49, v9;
	_ =	sdelay $0x1  }
0x201: {  	v4 =	vmul.f32 v50, v4;
	v1 =	vmul.f32 v3, v1;
	v3 =	vsub.f32 $1.500000000e+00, v11  }
0x202: {  	v51 =	vmul.f32 v7, v10  }
0x203: {  	v5 =	vmul.f32 v4, v5;
	v3 =	vmul.f32 v3, v9  }
0x204: {  	v52 =	vmul.f32 v51, v7;
	v6 =	vmul.f32 v1, v6  }
0x205: {  	v5 =	vmul.f32 v5, v4;
	v8 =	vmul.f32 v3, v8  }
0x206: {  	v53 =	vsub.f32 $1.500000000e+00, v52;
	v6 =	vmul.f32 v6, v1  }
0x207: {  	s5 =	smul.f32 s5, s31;
	v5 =	vsub.f32 $1.500000000e+00, v5;
	v8 =	vmul.f32 v8, v3  }
0x208: {  	s18 =	smul.f32 s16, s31;
	v7 =	vmul.f32 v53, v7;
	v6 =	vsub.f32 $1.500000000e+00, v6  }
0x209: {  	s1 =	ssub.f32 s1, s5;
	s4 =	smul.f32 s4, s31;
	v4 =	vmul.f32 v5, v4;
	v56 =	vsub.f32 $1.500000000e+00, v8  }
0x20a: {  	v57 =	vmov s30;
	s30 =	sadd.s32 $0x1, s30;
	s3 =	ssub.f32 s3, s18;
	v54 =	vmul.f32 v7, v10;
	v1 =	vmul.f32 v6, v1;
	s23 =	spop (v2sf)  }
0x20b: {  	v59 =	vmov s30;
	v4 =	vmul.f32 s1, v4;
	v3 =	vmul.f32 v56, v3;
	s24 =	ssub.f32 s23, s4  }
0x20c: {  	v58 =	vlaneseq.u32;
	v55 =	vmul.f32 v54, v7;
	v1 =	vmul.f32 s3, v1  }
0x20d: {  	vm1 =	veq.s32 v57, v58;
	v4 =	vadd.f32 v4, v23;
	v3 =	vmul.f32 s24, v3  }
0x20e: {  	vm2 =	veq.s32 v59, v58;
	s19 =	smul.f32 s17, s31;
	v5 =	vsub.f32 $1.500000000e+00, v55;
	v1 =	vadd.f32 v1, v23  }
0x20f: {  	v60 =	vmov s2;
	s25 =	spop (v2sf);
	v4 =	vsel vm1, v4, v24;
	v3 =	vadd.f32 v3, v23  }
0x210: {  	vm1 =	veq.s32 v60, v58;
	v5 =	vmul.f32 v5, v7;
	s1 =	ssub.f32 s25, s19;
	v1 =	vsel vm2, v1, v4  }
0x211: {  	v1 =	vsel vm1, v3, v1;
	v3 =	vld [tilespmem:$0x1FF10]  }
0x212: {  	v5 =	vmul.f32 s1, v5  }
0x213: {  	v61 =	vld.msk [tilespmem:$0x2880 ss:$0x0], $0xffff;
	s31 =	sadd.s32 $0x1, s2  }
0x214: {  	v63 =	vmov s31;
	v62 =	vadd.f32 v5, v23  }
0x215: {  	vm2 =	veq.s32 v63, v58  }
0x216: {  	v1 =	vsel vm2, v62, v1;
	vm1 =	vgt.s32 v3, $0x0  }
0x217: {  	v1 =	vnsel vm1, $0x0, v1  }
0x218: {  	s29 =	sadd.s32 $0x1, s29;
	v1 =	vadd.f32 v61, v1  }
0x219: {  	p2 =	sne.s32 s29, s13  }
.Ltmp8:
0x21a: {  	[tilespmem:$0x2900] =	vst v1;
	(pc) =	sbr.rel @p2 .LBB2_1-.Ltmp8, $4  }
0x21b: {  	[hbm4b:s12+s7] =	stream.linear.scatter [tilespmem:s28], [sflag:$0x3], $0x10, $0x38;
	[tilespmem:$0x2A00] =	vst v63  }
0x21c: {  	_ =	swait.ge [sflag:s22], $0x10  }
0x21d: {  	[sflag:s22] =	ssyncset.done $0x0  }
0x21e: {  	v46 =	vlaneseq.u32;
	[sflag:s22] =	ssyncadd.s32 $0xFFFFFFF0  }
0x21f: {  	_ =	sfence.sel $0x180000  }
0x220: {  	[bflag:$0x0] =	sbarrier.arrive $0xFFFF  }
0x221: {  	_ =	strace $0x90000047  }
0x222: {  	[bflag:$0x2] =	sbarrier.arrive $0xFFFF  }
0x223: {  	s0 =	rddreg [dreg:$0x8]  }
0x224: {  	s0 =	sadd.s32 @!p0 $0x100000, s0  }
0x225: {  	[sflag:s0] =	ssyncadd.tile.s32 @!p0 $0x1;
	_ =	shalt  }
.Lfunc_end2:
_tile_overlayer_lowered:
.L_overlay_start_2:
0x226: {  	(tag) =	ssettag $0x2  }
0x227: {  	s0 =	rddreg [dreg:$0x0];
	s2 =	stileid.u32  }
0x228: {  	s1 =	rddreg [dreg:$0x1];
	p0 =	sne.s32 s2, $0x0  }
0x229: {  	s3 =	rddreg [dreg:$0x2];
	[bflag:$0x3] =	sbarrier.arrive $0xFFFF;
	s2 =	simm.s32 @!p0 $0x1C03  }
0x22a: {  	[timem:s3], [sflag:s2] =	dma.local @!p0 [hbm:s0], s1  }
0x22b: {  	s0 =	simm.s32 @!p0 $0x3  }
0x22c: {  	_ =	swait.ge @!p0 [sflag:s0], s1  }
0x22d: {  	s1 =	ssub.s32 @!p0 $0x0, s1;
	[sflag:s0] =	ssyncset.done @!p0 $0x0  }
0x22e: {  	[sflag:s0] =	ssyncadd.s32 @!p0 s1  }
0x22f: {  	[bflag:$0x3] =	sbarrier.arrive $0xFFFF  }
0x230: {  	_ =	shalt  }

</sc_bundles>
